<compile_context>
chip_gen: v7x
topology: tpu7x:2x2x1
jax: 0.10.2.dev20260603
libtpu: 0.0.44.dev20260713+nightly
codegen_flags: <defaults>
</compile_context>

<pallas_src>
import jax
import jax.numpy as jnp
from jax import lax
from jax.experimental import pallas as pl
from jax.experimental.pallas import tpu as pltpu
from jax.experimental.pallas import tpu_sc as plsc

_N = 5000
_NPAD = 5120
_MAX_DET = 300
_OUTPAD = 304
_SIGMA = 0.5
_THRESH = 0.001
_NSUB = 16
_NCORE = 2
_PER = _NPAD // _NSUB
_CH = _PER // 16
_BOARD = 128


def _nms_body(x1h, y1h, x2h, y2h, sch, outh,
              x1, y1, x2, y2, ar, msc, stage, shv, loc, outv,
              x1m, y1m, x2m, y2m, arm):
    sid = lax.axis_index("s")
    cid = lax.axis_index("c")
    base = sid * _PER
    is_out_tile = (sid == 0) & (cid == 0)

    pltpu.sync_copy(x1h, x1)
    pltpu.sync_copy(y1h, y1)
    pltpu.sync_copy(x2h, x2)
    pltpu.sync_copy(y2h, y2)
    pltpu.sync_copy(sch.at[pl.ds(base, _PER)], msc)

    li = lax.iota(jnp.int32, 16)

    def _area(j, carry):
        xs = x1[pl.ds(j * 16, 16)]
        ys = y1[pl.ds(j * 16, 16)]
        a = (x2[pl.ds(j * 16, 16)] - xs) * (y2[pl.ds(j * 16, 16)] - ys)
        ar[pl.ds(j * 16, 16)] = a
        return carry

    lax.fori_loop(0, _NPAD // 16, _area, 0)

    for j in range(_CH):
        o = base + j * 16
        x1m[pl.ds(j * 16, 16)] = x1[pl.ds(o, 16)]
        y1m[pl.ds(j * 16, 16)] = y1[pl.ds(o, 16)]
        x2m[pl.ds(j * 16, 16)] = x2[pl.ds(o, 16)]
        y2m[pl.ds(j * 16, 16)] = y2[pl.ds(o, 16)]
        arm[pl.ds(j * 16, 16)] = ar[pl.ds(o, 16)]

    @pl.when(is_out_tile)
    def _():
        for j in range(_OUTPAD // 16):
            outv[pl.ds(j * 16, 16)] = jnp.zeros((16,), jnp.float32)

    lane0 = li == 0

    def _reduce_best(bestv, bestc):
        bestidx = (bestc * 16 + li) + base
        sk, svv = plsc.sort_key_val(bestv, bestidx, descending=True)
        return sk, svv

    def _local_argmax():
        bestv = msc[pl.ds(0, 16)]
        bestc = jnp.zeros((16,), jnp.int32)
        for j in range(1, _CH):
            v = msc[pl.ds(j * 16, 16)]
            gt = v > bestv
            bestc = jnp.where(gt, jnp.int32(j), bestc)
            bestv = jnp.maximum(v, bestv)
        return _reduce_best(bestv, bestc)

    mv0, mi0 = _local_argmax()

    zeros16 = jnp.zeros((16,), jnp.int32)
    full16 = jnp.full((16,), 16, jnp.int32)

    def _step(t, carry):
        sk, svv = carry
        pbase = (t % 2) * _BOARD
        tagval = (t + 1).astype(jnp.float32)
        stage[pl.ds(0, 16)] = sk
        stage[pl.ds(16, 16)] = plsc.bitcast(svv, jnp.float32)
        datav = plsc.load_gather(stage, [jnp.where(li == 2, full16, zeros16)])
        stage[pl.ds(0, 16)] = jnp.where((li == 0) | (li == 3), tagval, datav)
        pltpu.sync_copy(stage.at[pl.ds(0, 8)],
                        shv.at[pl.ds(pbase + sid * 8, 8)])

        def poll_cond(c):
            return (c[1] == 0) & (c[0] < 10000)

        def poll_body(c):
            pltpu.sync_copy(shv.at[pl.ds(pbase, _BOARD)], loc)
            tags0 = plsc.load_gather(loc, [li * 8])
            tags1 = plsc.load_gather(loc, [li * 8 + 3])
            good = jnp.min(jnp.where((tags0 == tagval) & (tags1 == tagval),
                                     1, 0))
            return (c[0] + 1, good)

        lax.while_loop(poll_cond, poll_body, (jnp.int32(0), jnp.int32(0)))
        vals = plsc.load_gather(loc, [li * 8 + 1])
        idxs = plsc.bitcast(plsc.load_gather(loc, [li * 8 + 2]), jnp.int32)
        gk, gvv = plsc.sort_key_val(vals, idxs, descending=True)
        stage[pl.ds(0, 16)] = gk
        stage[pl.ds(16, 16)] = plsc.bitcast(gvv, jnp.float32)
        g_vec = plsc.bitcast(plsc.load_gather(stage, [full16]), jnp.int32)

        @pl.when(is_out_tile)
        def _():
            gv_vec = plsc.load_gather(stage, [zeros16])
            plsc.store_scatter(outv, [jnp.full((16,), t, jnp.int32)],
                               gv_vec, mask=lane0)

        ownmask = lane0 & (g_vec >= base) & (g_vec < base + _PER)
        plsc.store_scatter(msc, [g_vec - base],
                           jnp.full((16,), -1.0, jnp.float32), mask=ownmask)

        xa = plsc.load_gather(x1, [g_vec])
        ya = plsc.load_gather(y1, [g_vec])
        xb = plsc.load_gather(x2, [g_vec])
        yb = plsc.load_gather(y2, [g_vec])
        ag = plsc.load_gather(ar, [g_vec])
        @plsc.parallel_loop(0, _PER, 16, unroll=4,
                            carry=(jnp.full((16,), -2.0, jnp.float32),
                                   jnp.zeros((16,), jnp.int32)))
        def _pass(o, c):
            bestv, bestc = c
            sv = msc[pl.ds(o, 16)]
            bx1 = x1m[pl.ds(o, 16)]
            by1 = y1m[pl.ds(o, 16)]
            bx2 = x2m[pl.ds(o, 16)]
            by2 = y2m[pl.ds(o, 16)]
            av = arm[pl.ds(o, 16)]
            ltx = jnp.maximum(bx1, xa)
            lty = jnp.maximum(by1, ya)
            rbx = jnp.minimum(bx2, xb)
            rby = jnp.minimum(by2, yb)
            w = jnp.maximum(rbx - ltx, jnp.float32(0.0))
            h = jnp.maximum(rby - lty, jnp.float32(0.0))
            inter = w * h
            union = av + ag - inter
            iou = inter / (union + jnp.float32(1e-9))
            dec = jnp.exp(iou * iou * jnp.float32(-1.0 / _SIGMA))
            svn = sv * dec
            msc[pl.ds(o, 16)] = svn
            gt = svn > bestv
            bestc = jnp.where(gt, o, bestc)
            bestv = jnp.maximum(svn, bestv)
            return bestv, bestc

        bestv, bestc = _pass
        bestidx = (bestc + li) + base
        sk, svv = plsc.sort_key_val(bestv, bestidx, descending=True)
        return sk, svv

    lax.fori_loop(0, _MAX_DET, _step, (mv0, mi0))

    @pl.when(is_out_tile)
    def _():
        for j in range(_OUTPAD // 16):
            v = outv[pl.ds(j * 16, 16)]
            outv[pl.ds(j * 16, 16)] = jnp.where(v < jnp.float32(_THRESH),
                                                jnp.float32(0.0), v)
        pltpu.sync_copy(outv.at[pl.ds(0, _MAX_DET)], outh)


def _make_nms():
    mesh = plsc.VectorSubcoreMesh(core_axis_name="c", subcore_axis_name="s",
                                  num_cores=_NCORE, num_subcores=_NSUB)
    return pl.kernel(
        _nms_body,
        out_type=jax.ShapeDtypeStruct((_MAX_DET,), jnp.float32),
        mesh=mesh,
        scratch_types=[
            pltpu.VMEM((_NPAD,), jnp.float32),
            pltpu.VMEM((_NPAD,), jnp.float32),
            pltpu.VMEM((_NPAD,), jnp.float32),
            pltpu.VMEM((_NPAD,), jnp.float32),
            pltpu.VMEM((_NPAD,), jnp.float32),
            pltpu.VMEM((_PER,), jnp.float32),
            pltpu.VMEM((32,), jnp.float32),
            pltpu.VMEM_SHARED((2 * _BOARD,), jnp.float32),
            pltpu.VMEM((_BOARD,), jnp.float32),
            pltpu.VMEM((_OUTPAD,), jnp.float32),
            pltpu.VMEM((_PER,), jnp.float32),
            pltpu.VMEM((_PER,), jnp.float32),
            pltpu.VMEM((_PER,), jnp.float32),
            pltpu.VMEM((_PER,), jnp.float32),
            pltpu.VMEM((_PER,), jnp.float32),
        ],
        compiler_params=pltpu.CompilerParams(needs_layout_passes=False),
    )


@jax.jit
def kernel(boxes, scores):
    bp = jnp.pad(boxes, ((0, _NPAD - _N), (0, 0)))
    sp = jnp.pad(scores, (0, _NPAD - _N), constant_values=-1.0)
    x1 = bp[:, 0]
    y1 = bp[:, 1]
    x2 = bp[:, 2]
    y2 = bp[:, 3]
    return _make_nms()(x1, y1, x2, y2, sp)

# --- scband reference (transcript-rebuilt; emitter-appended) ---
"""Pipeline reference for scband-dalupi-17806934410013 (READ-ONLY COPY).

The authoritative reference and input builder live on the scoring server;
editing this copy changes nothing except your own understanding.
"""

import jax, jax.numpy as jnp
import numpy as np

N = 5000
MAX_DET = 300
SIGMA = 0.5
SCORE_THRESH = 0.001


def _box_iou(b1, b2):
    area1 = (b1[:, 2] - b1[:, 0]) * (b1[:, 3] - b1[:, 1])
    area2 = (b2[:, 2] - b2[:, 0]) * (b2[:, 3] - b2[:, 1])
    lt = jnp.maximum(b1[:, None, :2], b2[None, :, :2])
    rb = jnp.minimum(b1[:, None, 2:], b2[None, :, 2:])
    wh = jnp.clip(rb - lt, 0.0)
    inter = wh[..., 0] * wh[..., 1]
    union = area1[:, None] + area2[None, :] - inter
    return inter / (union + 1e-9)


def setup_inputs(seed: int = 0) -> dict:
    key = jax.random.key(seed)
    k1, k2, k3 = jax.random.split(key, 3)
    # valid boxes in xyxy format inside a 1024x1024 image
    cxcy = jax.random.uniform(k1, (N, 2), dtype=jnp.float32) * 1024.0
    wh = jax.random.uniform(k2, (N, 2), dtype=jnp.float32) * 128.0 + 8.0
    boxes = jnp.concatenate([cxcy - wh / 2.0, cxcy + wh / 2.0], axis=1)
    scores = jax.random.uniform(k3, (N,), dtype=jnp.float32)
    return {"boxes": boxes, "scores": scores}


def reference(boxes, scores):
    # Gaussian soft-NMS (greedy): full pairwise IoU, then MAX_DET sequential
    # selections, each decaying overlapping boxes' scores.
    iou = _box_iou(boxes, boxes)
    n = scores.shape[0]
    idx_range = jnp.arange(n)

    def step(carry, _):
        scores_work, selected = carry
        masked = jnp.where(selected, -1.0, scores_work)
        idx = jnp.argmax(masked)
        s = scores_work[idx]
        decay = jnp.exp(-(iou[idx] ** 2) / SIGMA)
        scores_new = scores_work * decay
        selected_new = selected | (idx_range == idx)
        return (scores_new, selected_new), s

    init = (scores, jnp.zeros((n,), dtype=bool))
    _, sel_scores = jax.lax.scan(step, init, None, length=MAX_DET)
    sel_scores = jnp.where(sel_scores < SCORE_THRESH, 0.0, sel_scores)
    return sel_scores

if __name__ == "__main__":
    import jax
    _d = setup_inputs()
    print(jax.jit(kernel)(*tuple(_d.values())))

</pallas_src>

<mosaic_0001>
#map = affine_map<(d0, d1) -> (0)>
module attributes {stable_mosaic.version = 14 : i64} {
  func.func @_nms_body(%arg0: i32, %arg1: i32, %arg2: memref<5120xf32, #tpu.memory_space<hbm>>, %arg3: memref<5120xf32, #tpu.memory_space<hbm>>, %arg4: memref<5120xf32, #tpu.memory_space<hbm>>, %arg5: memref<5120xf32, #tpu.memory_space<hbm>>, %arg6: memref<5120xf32, #tpu.memory_space<hbm>>, %arg7: memref<300xf32, #tpu.memory_space<hbm>>, %arg8: memref<5120xf32, #tpu.memory_space<vmem>>, %arg9: memref<5120xf32, #tpu.memory_space<vmem>>, %arg10: memref<5120xf32, #tpu.memory_space<vmem>>, %arg11: memref<5120xf32, #tpu.memory_space<vmem>>, %arg12: memref<5120xf32, #tpu.memory_space<vmem>>, %arg13: memref<320xf32, #tpu.memory_space<vmem>>, %arg14: memref<32xf32, #tpu.memory_space<vmem>>, %arg15: memref<256xf32, #tpu.memory_space<vmem_shared>>, %arg16: memref<128xf32, #tpu.memory_space<vmem>>, %arg17: memref<304xf32, #tpu.memory_space<vmem>>, %arg18: memref<320xf32, #tpu.memory_space<vmem>>, %arg19: memref<320xf32, #tpu.memory_space<vmem>>, %arg20: memref<320xf32, #tpu.memory_space<vmem>>, %arg21: memref<320xf32, #tpu.memory_space<vmem>>, %arg22: memref<320xf32, #tpu.memory_space<vmem>>) attributes {dimension_semantics = [#tpu.dimension_semantics<core_parallel>, #tpu.dimension_semantics<subcore_parallel>], iteration_bounds = array<i64: 2, 16>, scalar_prefetch = 0 : i64, scratch_operands = 15 : i64, tpu.core_type = #tpu.core_type<sc_vector_subcore>, window_params = [{transform_indices = #map}, {transform_indices = #map}, {transform_indices = #map}, {transform_indices = #map}, {transform_indices = #map}, {transform_indices = #map}]} {
    %mul3A = arith.constant 320 : i32
    %mul3A_0 = arith.muli %arg1, %mul3A : i32
    %eq3A = arith.constant 0 : i32
    %eq3A_1 = arith.cmpi eq, %arg1, %eq3A : i32
    %eq3A_2 = arith.constant 0 : i32
    %eq3A_3 = arith.cmpi eq, %arg0, %eq3A_2 : i32
    %and3A = arith.andi %eq3A_1, %eq3A_3 : i1
    "tpu.region"() ({
      %run_scoped3A = tpu.sem_alloc : memref<!tpu.dma_semaphore, #tpu.memory_space<semaphore_mem>>
      tpu.enqueue_dma source(%arg2 : memref<5120xf32, #tpu.memory_space<hbm>>) target(%arg8 : memref<5120xf32, #tpu.memory_space<vmem>>) target_semaphore(%run_scoped3A : memref<!tpu.dma_semaphore, #tpu.memory_space<semaphore_mem>>)
      tpu.wait_dma2 semaphore(%run_scoped3A : memref<!tpu.dma_semaphore, #tpu.memory_space<semaphore_mem>>) src(%arg2 : memref<5120xf32, #tpu.memory_space<hbm>>) dst(%arg8 : memref<5120xf32, #tpu.memory_space<vmem>>)
      tpu.yield
    }) : () -> ()
    "tpu.region"() ({
      %run_scoped3A = tpu.sem_alloc : memref<!tpu.dma_semaphore, #tpu.memory_space<semaphore_mem>>
      tpu.enqueue_dma source(%arg3 : memref<5120xf32, #tpu.memory_space<hbm>>) target(%arg9 : memref<5120xf32, #tpu.memory_space<vmem>>) target_semaphore(%run_scoped3A : memref<!tpu.dma_semaphore, #tpu.memory_space<semaphore_mem>>)
      tpu.wait_dma2 semaphore(%run_scoped3A : memref<!tpu.dma_semaphore, #tpu.memory_space<semaphore_mem>>) src(%arg3 : memref<5120xf32, #tpu.memory_space<hbm>>) dst(%arg9 : memref<5120xf32, #tpu.memory_space<vmem>>)
      tpu.yield
    }) : () -> ()
    "tpu.region"() ({
      %run_scoped3A = tpu.sem_alloc : memref<!tpu.dma_semaphore, #tpu.memory_space<semaphore_mem>>
      tpu.enqueue_dma source(%arg4 : memref<5120xf32, #tpu.memory_space<hbm>>) target(%arg10 : memref<5120xf32, #tpu.memory_space<vmem>>) target_semaphore(%run_scoped3A : memref<!tpu.dma_semaphore, #tpu.memory_space<semaphore_mem>>)
      tpu.wait_dma2 semaphore(%run_scoped3A : memref<!tpu.dma_semaphore, #tpu.memory_space<semaphore_mem>>) src(%arg4 : memref<5120xf32, #tpu.memory_space<hbm>>) dst(%arg10 : memref<5120xf32, #tpu.memory_space<vmem>>)
      tpu.yield
    }) : () -> ()
    "tpu.region"() ({
      %run_scoped3A = tpu.sem_alloc : memref<!tpu.dma_semaphore, #tpu.memory_space<semaphore_mem>>
      tpu.enqueue_dma source(%arg5 : memref<5120xf32, #tpu.memory_space<hbm>>) target(%arg11 : memref<5120xf32, #tpu.memory_space<vmem>>) target_semaphore(%run_scoped3A : memref<!tpu.dma_semaphore, #tpu.memory_space<semaphore_mem>>)
      tpu.wait_dma2 semaphore(%run_scoped3A : memref<!tpu.dma_semaphore, #tpu.memory_space<semaphore_mem>>) src(%arg5 : memref<5120xf32, #tpu.memory_space<hbm>>) dst(%arg11 : memref<5120xf32, #tpu.memory_space<vmem>>)
      tpu.yield
    }) : () -> ()
    "tpu.region"() ({
      %run_scoped3A = tpu.sem_alloc : memref<!tpu.dma_semaphore, #tpu.memory_space<semaphore_mem>>
      %dma_start3A = tpu.memref_slice %arg6[%mul3A_0] : memref<5120xf32, #tpu.memory_space<hbm>> -> memref<320xf32, #tpu.memory_space<hbm>>
      %dma_start3A_604 = tpu.memref_slice %arg6[%mul3A_0] : memref<5120xf32, #tpu.memory_space<hbm>> -> memref<320xf32, #tpu.memory_space<hbm>>
      tpu.enqueue_dma source(%dma_start3A_604 : memref<320xf32, #tpu.memory_space<hbm>>) target(%arg13 : memref<320xf32, #tpu.memory_space<vmem>>) target_semaphore(%run_scoped3A : memref<!tpu.dma_semaphore, #tpu.memory_space<semaphore_mem>>)
      %dma_wait3A = tpu.memref_slice %arg6[%mul3A_0] : memref<5120xf32, #tpu.memory_space<hbm>> -> memref<320xf32, #tpu.memory_space<hbm>>
      %dma_wait3A_605 = tpu.memref_slice %arg6[%mul3A_0] : memref<5120xf32, #tpu.memory_space<hbm>> -> memref<320xf32, #tpu.memory_space<hbm>>
      tpu.wait_dma2 semaphore(%run_scoped3A : memref<!tpu.dma_semaphore, #tpu.memory_space<semaphore_mem>>) src(%dma_wait3A_605 : memref<320xf32, #tpu.memory_space<hbm>>) dst(%arg13 : memref<320xf32, #tpu.memory_space<vmem>>)
      tpu.yield
    }) : () -> ()
    %iota3A = tpu.iota {dimensions = array<i32: 0>} : vector<16xi32>
    %scan3A = arith.constant 0 : i32
    %scan3A_4 = arith.constant 0 : i32
    %scan3A_5 = arith.constant 320 : i32
    %scan3A_6 = arith.addi %scan3A_4, %scan3A_5 : i32
    %scan3A_7 = arith.constant 1 : i32
    scf.for %scan3A_604 = %scan3A_4 to %scan3A_6 step %scan3A_7  : i32 {
      %mul3A_605 = arith.constant 16 : i32
      %mul3A_606 = arith.muli %scan3A_604, %mul3A_605 : i32
      %get3A_607 = arith.index_cast %mul3A_606 : i32 to index
      %get3A_608 = tpu.vector_load %arg8[%get3A_607] {strides = array<i32>} : memref<5120xf32, #tpu.memory_space<vmem>>, vector<16xf32>,
      %mul3A_609 = arith.constant 16 : i32
      %mul3A_610 = arith.muli %scan3A_604, %mul3A_609 : i32
      %get3A_611 = arith.index_cast %mul3A_610 : i32 to index
      %get3A_612 = tpu.vector_load %arg9[%get3A_611] {strides = array<i32>} : memref<5120xf32, #tpu.memory_space<vmem>>, vector<16xf32>,
      %mul3A_613 = arith.constant 16 : i32
      %mul3A_614 = arith.muli %scan3A_604, %mul3A_613 : i32
      %get3A_615 = arith.index_cast %mul3A_614 : i32 to index
      %get3A_616 = tpu.vector_load %arg10[%get3A_615] {strides = array<i32>} : memref<5120xf32, #tpu.memory_space<vmem>>, vector<16xf32>,
      %sub3A = arith.subf %get3A_616, %get3A_608 : vector<16xf32>
      %mul3A_617 = arith.constant 16 : i32
      %mul3A_618 = arith.muli %scan3A_604, %mul3A_617 : i32
      %get3A_619 = arith.index_cast %mul3A_618 : i32 to index
      %get3A_620 = tpu.vector_load %arg11[%get3A_619] {strides = array<i32>} : memref<5120xf32, #tpu.memory_space<vmem>>, vector<16xf32>,
      %sub3A_621 = arith.subf %get3A_620, %get3A_612 : vector<16xf32>
      %mul3A_622 = arith.mulf %sub3A, %sub3A_621 : vector<16xf32>
      %mul3A_623 = arith.constant 16 : i32
      %mul3A_624 = arith.muli %scan3A_604, %mul3A_623 : i32
      %swap3A_625 = arith.index_cast %mul3A_624 : i32 to index
      %swap3A_626 = tpu.vector_load %arg12[%swap3A_625] {strides = array<i32>} : memref<5120xf32, #tpu.memory_space<vmem>>, vector<16xf32>,
      tpu.vector_store %arg12[%swap3A_625], %mul3A_622 {strides = array<i32>} : memref<5120xf32, #tpu.memory_space<vmem>>, vector<16xf32>,
    }
    %scan3A_8 = arith.constant 320 : i32
    %add3A = arith.constant 0 : i32
    %add3A_9 = arith.addi %mul3A_0, %add3A : i32
    %get3A = arith.index_cast %add3A_9 : i32 to index
    %get3A_10 = tpu.vector_load %arg8[%get3A] {strides = array<i32>} : memref<5120xf32, #tpu.memory_space<vmem>>, vector<16xf32>,
    %swap3A = arith.constant 0 : index
    %swap3A_11 = tpu.vector_load %arg18[%swap3A] {strides = array<i32>} : memref<320xf32, #tpu.memory_space<vmem>>, vector<16xf32>,
    tpu.vector_store %arg18[%swap3A], %get3A_10 {strides = array<i32>} : memref<320xf32, #tpu.memory_space<vmem>>, vector<16xf32>,
    %get3A_12 = arith.index_cast %add3A_9 : i32 to index
    %get3A_13 = tpu.vector_load %arg9[%get3A_12] {strides = array<i32>} : memref<5120xf32, #tpu.memory_space<vmem>>, vector<16xf32>,
    %swap3A_14 = arith.constant 0 : index
    %swap3A_15 = tpu.vector_load %arg19[%swap3A_14] {strides = array<i32>} : memref<320xf32, #tpu.memory_space<vmem>>, vector<16xf32>,
    tpu.vector_store %arg19[%swap3A_14], %get3A_13 {strides = array<i32>} : memref<320xf32, #tpu.memory_space<vmem>>, vector<16xf32>,
    %get3A_16 = arith.index_cast %add3A_9 : i32 to index
    %get3A_17 = tpu.vector_load %arg10[%get3A_16] {strides = array<i32>} : memref<5120xf32, #tpu.memory_space<vmem>>, vector<16xf32>,
    %swap3A_18 = arith.constant 0 : index
    %swap3A_19 = tpu.vector_load %arg20[%swap3A_18] {strides = array<i32>} : memref<320xf32, #tpu.memory_space<vmem>>, vector<16xf32>,
    tpu.vector_store %arg20[%swap3A_18], %get3A_17 {strides = array<i32>} : memref<320xf32, #tpu.memory_space<vmem>>, vector<16xf32>,
    %get3A_20 = arith.index_cast %add3A_9 : i32 to index
    %get3A_21 = tpu.vector_load %arg11[%get3A_20] {strides = array<i32>} : memref<5120xf32, #tpu.memory_space<vmem>>, vector<16xf32>,
    %swap3A_22 = arith.constant 0 : index
    %swap3A_23 = tpu.vector_load %arg21[%swap3A_22] {strides = array<i32>} : memref<320xf32, #tpu.memory_space<vmem>>, vector<16xf32>,
    tpu.vector_store %arg21[%swap3A_22], %get3A_21 {strides = array<i32>} : memref<320xf32, #tpu.memory_space<vmem>>, vector<16xf32>,
    %get3A_24 = arith.index_cast %add3A_9 : i32 to index
    %get3A_25 = tpu.vector_load %arg12[%get3A_24] {strides = array<i32>} : memref<5120xf32, #tpu.memory_space<vmem>>, vector<16xf32>,
    %swap3A_26 = arith.constant 0 : index
    %swap3A_27 = tpu.vector_load %arg22[%swap3A_26] {strides = array<i32>} : memref<320xf32, #tpu.memory_space<vmem>>, vector<16xf32>,
    tpu.vector_store %arg22[%swap3A_26], %get3A_25 {strides = array<i32>} : memref<320xf32, #tpu.memory_space<vmem>>, vector<16xf32>,
    %add3A_28 = arith.constant 16 : i32
    %add3A_29 = arith.addi %mul3A_0, %add3A_28 : i32
    %get3A_30 = arith.index_cast %add3A_29 : i32 to index
    %get3A_31 = tpu.vector_load %arg8[%get3A_30] {strides = array<i32>} : memref<5120xf32, #tpu.memory_space<vmem>>, vector<16xf32>,
    %swap3A_32 = arith.constant 16 : index
    %swap3A_33 = tpu.vector_load %arg18[%swap3A_32] {strides = array<i32>} : memref<320xf32, #tpu.memory_space<vmem>>, vector<16xf32>,
    tpu.vector_store %arg18[%swap3A_32], %get3A_31 {strides = array<i32>} : memref<320xf32, #tpu.memory_space<vmem>>, vector<16xf32>,
    %get3A_34 = arith.index_cast %add3A_29 : i32 to index
    %get3A_35 = tpu.vector_load %arg9[%get3A_34] {strides = array<i32>} : memref<5120xf32, #tpu.memory_space<vmem>>, vector<16xf32>,
    %swap3A_36 = arith.constant 16 : index
    %swap3A_37 = tpu.vector_load %arg19[%swap3A_36] {strides = array<i32>} : memref<320xf32, #tpu.memory_space<vmem>>, vector<16xf32>,
    tpu.vector_store %arg19[%swap3A_36], %get3A_35 {strides = array<i32>} : memref<320xf32, #tpu.memory_space<vmem>>, vector<16xf32>,
    %get3A_38 = arith.index_cast %add3A_29 : i32 to index
    %get3A_39 = tpu.vector_load %arg10[%get3A_38] {strides = array<i32>} : memref<5120xf32, #tpu.memory_space<vmem>>, vector<16xf32>,
    %swap3A_40 = arith.constant 16 : index
    %swap3A_41 = tpu.vector_load %arg20[%swap3A_40] {strides = array<i32>} : memref<320xf32, #tpu.memory_space<vmem>>, vector<16xf32>,
    tpu.vector_store %arg20[%swap3A_40], %get3A_39 {strides = array<i32>} : memref<320xf32, #tpu.memory_space<vmem>>, vector<16xf32>,
    %get3A_42 = arith.index_cast %add3A_29 : i32 to index
    %get3A_43 = tpu.vector_load %arg11[%get3A_42] {strides = array<i32>} : memref<5120xf32, #tpu.memory_space<vmem>>, vector<16xf32>,
    %swap3A_44 = arith.constant 16 : index
    %swap3A_45 = tpu.vector_load %arg21[%swap3A_44] {strides = array<i32>} : memref<320xf32, #tpu.memory_space<vmem>>, vector<16xf32>,
    tpu.vector_store %arg21[%swap3A_44], %get3A_43 {strides = array<i32>} : memref<320xf32, #tpu.memory_space<vmem>>, vector<16xf32>,
    %get3A_46 = arith.index_cast %add3A_29 : i32 to index
    %get3A_47 = tpu.vector_load %arg12[%get3A_46] {strides = array<i32>} : memref<5120xf32, #tpu.memory_space<vmem>>, vector<16xf32>,
    %swap3A_48 = arith.constant 16 : index
    %swap3A_49 = tpu.vector_load %arg22[%swap3A_48] {strides = array<i32>} : memref<320xf32, #tpu.memory_space<vmem>>, vector<16xf32>,
    tpu.vector_store %arg22[%swap3A_48], %get3A_47 {strides = array<i32>} : memref<320xf32, #tpu.memory_space<vmem>>, vector<16xf32>,
    %add3A_50 = arith.constant 32 : i32
    %add3A_51 = arith.addi %mul3A_0, %add3A_50 : i32
    %get3A_52 = arith.index_cast %add3A_51 : i32 to index
    %get3A_53 = tpu.vector_load %arg8[%get3A_52] {strides = array<i32>} : memref<5120xf32, #tpu.memory_space<vmem>>, vector<16xf32>,
    %swap3A_54 = arith.constant 32 : index
    %swap3A_55 = tpu.vector_load %arg18[%swap3A_54] {strides = array<i32>} : memref<320xf32, #tpu.memory_space<vmem>>, vector<16xf32>,
    tpu.vector_store %arg18[%swap3A_54], %get3A_53 {strides = array<i32>} : memref<320xf32, #tpu.memory_space<vmem>>, vector<16xf32>,
    %get3A_56 = arith.index_cast %add3A_51 : i32 to index
    %get3A_57 = tpu.vector_load %arg9[%get3A_56] {strides = array<i32>} : memref<5120xf32, #tpu.memory_space<vmem>>, vector<16xf32>,
    %swap3A_58 = arith.constant 32 : index
    %swap3A_59 = tpu.vector_load %arg19[%swap3A_58] {strides = array<i32>} : memref<320xf32, #tpu.memory_space<vmem>>, vector<16xf32>,
    tpu.vector_store %arg19[%swap3A_58], %get3A_57 {strides = array<i32>} : memref<320xf32, #tpu.memory_space<vmem>>, vector<16xf32>,
    %get3A_60 = arith.index_cast %add3A_51 : i32 to index
    %get3A_61 = tpu.vector_load %arg10[%get3A_60] {strides = array<i32>} : memref<5120xf32, #tpu.memory_space<vmem>>, vector<16xf32>,
    %swap3A_62 = arith.constant 32 : index
    %swap3A_63 = tpu.vector_load %arg20[%swap3A_62] {strides = array<i32>} : memref<320xf32, #tpu.memory_space<vmem>>, vector<16xf32>,
    tpu.vector_store %arg20[%swap3A_62], %get3A_61 {strides = array<i32>} : memref<320xf32, #tpu.memory_space<vmem>>, vector<16xf32>,
    %get3A_64 = arith.index_cast %add3A_51 : i32 to index
    %get3A_65 = tpu.vector_load %arg11[%get3A_64] {strides = array<i32>} : memref<5120xf32, #tpu.memory_space<vmem>>, vector<16xf32>,
    %swap3A_66 = arith.constant 32 : index
    %swap3A_67 = tpu.vector_load %arg21[%swap3A_66] {strides = array<i32>} : memref<320xf32, #tpu.memory_space<vmem>>, vector<16xf32>,
    tpu.vector_store %arg21[%swap3A_66], %get3A_65 {strides = array<i32>} : memref<320xf32, #tpu.memory_space<vmem>>, vector<16xf32>,
    %get3A_68 = arith.index_cast %add3A_51 : i32 to index
    %get3A_69 = tpu.vector_load %arg12[%get3A_68] {strides = array<i32>} : memref<5120xf32, #tpu.memory_space<vmem>>, vector<16xf32>,
    %swap3A_70 = arith.constant 32 : index
    %swap3A_71 = tpu.vector_load %arg22[%swap3A_70] {strides = array<i32>} : memref<320xf32, #tpu.memory_space<vmem>>, vector<16xf32>,
    tpu.vector_store %arg22[%swap3A_70], %get3A_69 {strides = array<i32>} : memref<320xf32, #tpu.memory_space<vmem>>, vector<16xf32>,
    %add3A_72 = arith.constant 48 : i32
    %add3A_73 = arith.addi %mul3A_0, %add3A_72 : i32
    %get3A_74 = arith.index_cast %add3A_73 : i32 to index
    %get3A_75 = tpu.vector_load %arg8[%get3A_74] {strides = array<i32>} : memref<5120xf32, #tpu.memory_space<vmem>>, vector<16xf32>,
    %swap3A_76 = arith.constant 48 : index
    %swap3A_77 = tpu.vector_load %arg18[%swap3A_76] {strides = array<i32>} : memref<320xf32, #tpu.memory_space<vmem>>, vector<16xf32>,
    tpu.vector_store %arg18[%swap3A_76], %get3A_75 {strides = array<i32>} : memref<320xf32, #tpu.memory_space<vmem>>, vector<16xf32>,
    %get3A_78 = arith.index_cast %add3A_73 : i32 to index
    %get3A_79 = tpu.vector_load %arg9[%get3A_78] {strides = array<i32>} : memref<5120xf32, #tpu.memory_space<vmem>>, vector<16xf32>,
    %swap3A_80 = arith.constant 48 : index
    %swap3A_81 = tpu.vector_load %arg19[%swap3A_80] {strides = array<i32>} : memref<320xf32, #tpu.memory_space<vmem>>, vector<16xf32>,
    tpu.vector_store %arg19[%swap3A_80], %get3A_79 {strides = array<i32>} : memref<320xf32, #tpu.memory_space<vmem>>, vector<16xf32>,
    %get3A_82 = arith.index_cast %add3A_73 : i32 to index
    %get3A_83 = tpu.vector_load %arg10[%get3A_82] {strides = array<i32>} : memref<5120xf32, #tpu.memory_space<vmem>>, vector<16xf32>,
    %swap3A_84 = arith.constant 48 : index
    %swap3A_85 = tpu.vector_load %arg20[%swap3A_84] {strides = array<i32>} : memref<320xf32, #tpu.memory_space<vmem>>, vector<16xf32>,
    tpu.vector_store %arg20[%swap3A_84], %get3A_83 {strides = array<i32>} : memref<320xf32, #tpu.memory_space<vmem>>, vector<16xf32>,
    %get3A_86 = arith.index_cast %add3A_73 : i32 to index
    %get3A_87 = tpu.vector_load %arg11[%get3A_86] {strides = array<i32>} : memref<5120xf32, #tpu.memory_space<vmem>>, vector<16xf32>,
    %swap3A_88 = arith.constant 48 : index
    %swap3A_89 = tpu.vector_load %arg21[%swap3A_88] {strides = array<i32>} : memref<320xf32, #tpu.memory_space<vmem>>, vector<16xf32>,
    tpu.vector_store %arg21[%swap3A_88], %get3A_87 {strides = array<i32>} : memref<320xf32, #tpu.memory_space<vmem>>, vector<16xf32>,
    %get3A_90 = arith.index_cast %add3A_73 : i32 to index
    %get3A_91 = tpu.vector_load %arg12[%get3A_90] {strides = array<i32>} : memref<5120xf32, #tpu.memory_space<vmem>>, vector<16xf32>,
    %swap3A_92 = arith.constant 48 : index
    %swap3A_93 = tpu.vector_load %arg22[%swap3A_92] {strides = array<i32>} : memref<320xf32, #tpu.memory_space<vmem>>, vector<16xf32>,
    tpu.vector_store %arg22[%swap3A_92], %get3A_91 {strides = array<i32>} : memref<320xf32, #tpu.memory_space<vmem>>, vector<16xf32>,
    %add3A_94 = arith.constant 64 : i32
    %add3A_95 = arith.addi %mul3A_0, %add3A_94 : i32
    %get3A_96 = arith.index_cast %add3A_95 : i32 to index
    %get3A_97 = tpu.vector_load %arg8[%get3A_96] {strides = array<i32>} : memref<5120xf32, #tpu.memory_space<vmem>>, vector<16xf32>,
    %swap3A_98 = arith.constant 64 : index
    %swap3A_99 = tpu.vector_load %arg18[%swap3A_98] {strides = array<i32>} : memref<320xf32, #tpu.memory_space<vmem>>, vector<16xf32>,
    tpu.vector_store %arg18[%swap3A_98], %get3A_97 {strides = array<i32>} : memref<320xf32, #tpu.memory_space<vmem>>, vector<16xf32>,
    %get3A_100 = arith.index_cast %add3A_95 : i32 to index
    %get3A_101 = tpu.vector_load %arg9[%get3A_100] {strides = array<i32>} : memref<5120xf32, #tpu.memory_space<vmem>>, vector<16xf32>,
    %swap3A_102 = arith.constant 64 : index
    %swap3A_103 = tpu.vector_load %arg19[%swap3A_102] {strides = array<i32>} : memref<320xf32, #tpu.memory_space<vmem>>, vector<16xf32>,
    tpu.vector_store %arg19[%swap3A_102], %get3A_101 {strides = array<i32>} : memref<320xf32, #tpu.memory_space<vmem>>, vector<16xf32>,
    %get3A_104 = arith.index_cast %add3A_95 : i32 to index
    %get3A_105 = tpu.vector_load %arg10[%get3A_104] {strides = array<i32>} : memref<5120xf32, #tpu.memory_space<vmem>>, vector<16xf32>,
    %swap3A_106 = arith.constant 64 : index
    %swap3A_107 = tpu.vector_load %arg20[%swap3A_106] {strides = array<i32>} : memref<320xf32, #tpu.memory_space<vmem>>, vector<16xf32>,
    tpu.vector_store %arg20[%swap3A_106], %get3A_105 {strides = array<i32>} : memref<320xf32, #tpu.memory_space<vmem>>, vector<16xf32>,
    %get3A_108 = arith.index_cast %add3A_95 : i32 to index
    %get3A_109 = tpu.vector_load %arg11[%get3A_108] {strides = array<i32>} : memref<5120xf32, #tpu.memory_space<vmem>>, vector<16xf32>,
    %swap3A_110 = arith.constant 64 : index
    %swap3A_111 = tpu.vector_load %arg21[%swap3A_110] {strides = array<i32>} : memref<320xf32, #tpu.memory_space<vmem>>, vector<16xf32>,
    tpu.vector_store %arg21[%swap3A_110], %get3A_109 {strides = array<i32>} : memref<320xf32, #tpu.memory_space<vmem>>, vector<16xf32>,
    %get3A_112 = arith.index_cast %add3A_95 : i32 to index
    %get3A_113 = tpu.vector_load %arg12[%get3A_112] {strides = array<i32>} : memref<5120xf32, #tpu.memory_space<vmem>>, vector<16xf32>,
    %swap3A_114 = arith.constant 64 : index
    %swap3A_115 = tpu.vector_load %arg22[%swap3A_114] {strides = array<i32>} : memref<320xf32, #tpu.memory_space<vmem>>, vector<16xf32>,
    tpu.vector_store %arg22[%swap3A_114], %get3A_113 {strides = array<i32>} : memref<320xf32, #tpu.memory_space<vmem>>, vector<16xf32>,
    %add3A_116 = arith.constant 80 : i32
    %add3A_117 = arith.addi %mul3A_0, %add3A_116 : i32
    %get3A_118 = arith.index_cast %add3A_117 : i32 to index
    %get3A_119 = tpu.vector_load %arg8[%get3A_118] {strides = array<i32>} : memref<5120xf32, #tpu.memory_space<vmem>>, vector<16xf32>,
    %swap3A_120 = arith.constant 80 : index
    %swap3A_121 = tpu.vector_load %arg18[%swap3A_120] {strides = array<i32>} : memref<320xf32, #tpu.memory_space<vmem>>, vector<16xf32>,
    tpu.vector_store %arg18[%swap3A_120], %get3A_119 {strides = array<i32>} : memref<320xf32, #tpu.memory_space<vmem>>, vector<16xf32>,
    %get3A_122 = arith.index_cast %add3A_117 : i32 to index
    %get3A_123 = tpu.vector_load %arg9[%get3A_122] {strides = array<i32>} : memref<5120xf32, #tpu.memory_space<vmem>>, vector<16xf32>,
    %swap3A_124 = arith.constant 80 : index
    %swap3A_125 = tpu.vector_load %arg19[%swap3A_124] {strides = array<i32>} : memref<320xf32, #tpu.memory_space<vmem>>, vector<16xf32>,
    tpu.vector_store %arg19[%swap3A_124], %get3A_123 {strides = array<i32>} : memref<320xf32, #tpu.memory_space<vmem>>, vector<16xf32>,
    %get3A_126 = arith.index_cast %add3A_117 : i32 to index
    %get3A_127 = tpu.vector_load %arg10[%get3A_126] {strides = array<i32>} : memref<5120xf32, #tpu.memory_space<vmem>>, vector<16xf32>,
    %swap3A_128 = arith.constant 80 : index
    %swap3A_129 = tpu.vector_load %arg20[%swap3A_128] {strides = array<i32>} : memref<320xf32, #tpu.memory_space<vmem>>, vector<16xf32>,
    tpu.vector_store %arg20[%swap3A_128], %get3A_127 {strides = array<i32>} : memref<320xf32, #tpu.memory_space<vmem>>, vector<16xf32>,
    %get3A_130 = arith.index_cast %add3A_117 : i32 to index
    %get3A_131 = tpu.vector_load %arg11[%get3A_130] {strides = array<i32>} : memref<5120xf32, #tpu.memory_space<vmem>>, vector<16xf32>,
    %swap3A_132 = arith.constant 80 : index
    %swap3A_133 = tpu.vector_load %arg21[%swap3A_132] {strides = array<i32>} : memref<320xf32, #tpu.memory_space<vmem>>, vector<16xf32>,
    tpu.vector_store %arg21[%swap3A_132], %get3A_131 {strides = array<i32>} : memref<320xf32, #tpu.memory_space<vmem>>, vector<16xf32>,
    %get3A_134 = arith.index_cast %add3A_117 : i32 to index
    %get3A_135 = tpu.vector_load %arg12[%get3A_134] {strides = array<i32>} : memref<5120xf32, #tpu.memory_space<vmem>>, vector<16xf32>,
    %swap3A_136 = arith.constant 80 : index
    %swap3A_137 = tpu.vector_load %arg22[%swap3A_136] {strides = array<i32>} : memref<320xf32, #tpu.memory_space<vmem>>, vector<16xf32>,
    tpu.vector_store %arg22[%swap3A_136], %get3A_135 {strides = array<i32>} : memref<320xf32, #tpu.memory_space<vmem>>, vector<16xf32>,
    %add3A_138 = arith.constant 96 : i32
    %add3A_139 = arith.addi %mul3A_0, %add3A_138 : i32
    %get3A_140 = arith.index_cast %add3A_139 : i32 to index
    %get3A_141 = tpu.vector_load %arg8[%get3A_140] {strides = array<i32>} : memref<5120xf32, #tpu.memory_space<vmem>>, vector<16xf32>,
    %swap3A_142 = arith.constant 96 : index
    %swap3A_143 = tpu.vector_load %arg18[%swap3A_142] {strides = array<i32>} : memref<320xf32, #tpu.memory_space<vmem>>, vector<16xf32>,
    tpu.vector_store %arg18[%swap3A_142], %get3A_141 {strides = array<i32>} : memref<320xf32, #tpu.memory_space<vmem>>, vector<16xf32>,
    %get3A_144 = arith.index_cast %add3A_139 : i32 to index
    %get3A_145 = tpu.vector_load %arg9[%get3A_144] {strides = array<i32>} : memref<5120xf32, #tpu.memory_space<vmem>>, vector<16xf32>,
    %swap3A_146 = arith.constant 96 : index
    %swap3A_147 = tpu.vector_load %arg19[%swap3A_146] {strides = array<i32>} : memref<320xf32, #tpu.memory_space<vmem>>, vector<16xf32>,
    tpu.vector_store %arg19[%swap3A_146], %get3A_145 {strides = array<i32>} : memref<320xf32, #tpu.memory_space<vmem>>, vector<16xf32>,
    %get3A_148 = arith.index_cast %add3A_139 : i32 to index
    %get3A_149 = tpu.vector_load %arg10[%get3A_148] {strides = array<i32>} : memref<5120xf32, #tpu.memory_space<vmem>>, vector<16xf32>,
    %swap3A_150 = arith.constant 96 : index
    %swap3A_151 = tpu.vector_load %arg20[%swap3A_150] {strides = array<i32>} : memref<320xf32, #tpu.memory_space<vmem>>, vector<16xf32>,
    tpu.vector_store %arg20[%swap3A_150], %get3A_149 {strides = array<i32>} : memref<320xf32, #tpu.memory_space<vmem>>, vector<16xf32>,
    %get3A_152 = arith.index_cast %add3A_139 : i32 to index
    %get3A_153 = tpu.vector_load %arg11[%get3A_152] {strides = array<i32>} : memref<5120xf32, #tpu.memory_space<vmem>>, vector<16xf32>,
    %swap3A_154 = arith.constant 96 : index
    %swap3A_155 = tpu.vector_load %arg21[%swap3A_154] {strides = array<i32>} : memref<320xf32, #tpu.memory_space<vmem>>, vector<16xf32>,
    tpu.vector_store %arg21[%swap3A_154], %get3A_153 {strides = array<i32>} : memref<320xf32, #tpu.memory_space<vmem>>, vector<16xf32>,
    %get3A_156 = arith.index_cast %add3A_139 : i32 to index
    %get3A_157 = tpu.vector_load %arg12[%get3A_156] {strides = array<i32>} : memref<5120xf32, #tpu.memory_space<vmem>>, vector<16xf32>,
    %swap3A_158 = arith.constant 96 : index
    %swap3A_159 = tpu.vector_load %arg22[%swap3A_158] {strides = array<i32>} : memref<320xf32, #tpu.memory_space<vmem>>, vector<16xf32>,
    tpu.vector_store %arg22[%swap3A_158], %get3A_157 {strides = array<i32>} : memref<320xf32, #tpu.memory_space<vmem>>, vector<16xf32>,
    %add3A_160 = arith.constant 112 : i32
    %add3A_161 = arith.addi %mul3A_0, %add3A_160 : i32
    %get3A_162 = arith.index_cast %add3A_161 : i32 to index
    %get3A_163 = tpu.vector_load %arg8[%get3A_162] {strides = array<i32>} : memref<5120xf32, #tpu.memory_space<vmem>>, vector<16xf32>,
    %swap3A_164 = arith.constant 112 : index
    %swap3A_165 = tpu.vector_load %arg18[%swap3A_164] {strides = array<i32>} : memref<320xf32, #tpu.memory_space<vmem>>, vector<16xf32>,
    tpu.vector_store %arg18[%swap3A_164], %get3A_163 {strides = array<i32>} : memref<320xf32, #tpu.memory_space<vmem>>, vector<16xf32>,
    %get3A_166 = arith.index_cast %add3A_161 : i32 to index
    %get3A_167 = tpu.vector_load %arg9[%get3A_166] {strides = array<i32>} : memref<5120xf32, #tpu.memory_space<vmem>>, vector<16xf32>,
    %swap3A_168 = arith.constant 112 : index
    %swap3A_169 = tpu.vector_load %arg19[%swap3A_168] {strides = array<i32>} : memref<320xf32, #tpu.memory_space<vmem>>, vector<16xf32>,
    tpu.vector_store %arg19[%swap3A_168], %get3A_167 {strides = array<i32>} : memref<320xf32, #tpu.memory_space<vmem>>, vector<16xf32>,
    %get3A_170 = arith.index_cast %add3A_161 : i32 to index
    %get3A_171 = tpu.vector_load %arg10[%get3A_170] {strides = array<i32>} : memref<5120xf32, #tpu.memory_space<vmem>>, vector<16xf32>,
    %swap3A_172 = arith.constant 112 : index
    %swap3A_173 = tpu.vector_load %arg20[%swap3A_172] {strides = array<i32>} : memref<320xf32, #tpu.memory_space<vmem>>, vector<16xf32>,
    tpu.vector_store %arg20[%swap3A_172], %get3A_171 {strides = array<i32>} : memref<320xf32, #tpu.memory_space<vmem>>, vector<16xf32>,
    %get3A_174 = arith.index_cast %add3A_161 : i32 to index
    %get3A_175 = tpu.vector_load %arg11[%get3A_174] {strides = array<i32>} : memref<5120xf32, #tpu.memory_space<vmem>>, vector<16xf32>,
    %swap3A_176 = arith.constant 112 : index
    %swap3A_177 = tpu.vector_load %arg21[%swap3A_176] {strides = array<i32>} : memref<320xf32, #tpu.memory_space<vmem>>, vector<16xf32>,
    tpu.vector_store %arg21[%swap3A_176], %get3A_175 {strides = array<i32>} : memref<320xf32, #tpu.memory_space<vmem>>, vector<16xf32>,
    %get3A_178 = arith.index_cast %add3A_161 : i32 to index
    %get3A_179 = tpu.vector_load %arg12[%get3A_178] {strides = array<i32>} : memref<5120xf32, #tpu.memory_space<vmem>>, vector<16xf32>,
    %swap3A_180 = arith.constant 112 : index
    %swap3A_181 = tpu.vector_load %arg22[%swap3A_180] {strides = array<i32>} : memref<320xf32, #tpu.memory_space<vmem>>, vector<16xf32>,
    tpu.vector_store %arg22[%swap3A_180], %get3A_179 {strides = array<i32>} : memref<320xf32, #tpu.memory_space<vmem>>, vector<16xf32>,
    %add3A_182 = arith.constant 128 : i32
    %add3A_183 = arith.addi %mul3A_0, %add3A_182 : i32
    %get3A_184 = arith.index_cast %add3A_183 : i32 to index
    %get3A_185 = tpu.vector_load %arg8[%get3A_184] {strides = array<i32>} : memref<5120xf32, #tpu.memory_space<vmem>>, vector<16xf32>,
    %swap3A_186 = arith.constant 128 : index
    %swap3A_187 = tpu.vector_load %arg18[%swap3A_186] {strides = array<i32>} : memref<320xf32, #tpu.memory_space<vmem>>, vector<16xf32>,
    tpu.vector_store %arg18[%swap3A_186], %get3A_185 {strides = array<i32>} : memref<320xf32, #tpu.memory_space<vmem>>, vector<16xf32>,
    %get3A_188 = arith.index_cast %add3A_183 : i32 to index
    %get3A_189 = tpu.vector_load %arg9[%get3A_188] {strides = array<i32>} : memref<5120xf32, #tpu.memory_space<vmem>>, vector<16xf32>,
    %swap3A_190 = arith.constant 128 : index
    %swap3A_191 = tpu.vector_load %arg19[%swap3A_190] {strides = array<i32>} : memref<320xf32, #tpu.memory_space<vmem>>, vector<16xf32>,
    tpu.vector_store %arg19[%swap3A_190], %get3A_189 {strides = array<i32>} : memref<320xf32, #tpu.memory_space<vmem>>, vector<16xf32>,
    %get3A_192 = arith.index_cast %add3A_183 : i32 to index
    %get3A_193 = tpu.vector_load %arg10[%get3A_192] {strides = array<i32>} : memref<5120xf32, #tpu.memory_space<vmem>>, vector<16xf32>,
    %swap3A_194 = arith.constant 128 : index
    %swap3A_195 = tpu.vector_load %arg20[%swap3A_194] {strides = array<i32>} : memref<320xf32, #tpu.memory_space<vmem>>, vector<16xf32>,
    tpu.vector_store %arg20[%swap3A_194], %get3A_193 {strides = array<i32>} : memref<320xf32, #tpu.memory_space<vmem>>, vector<16xf32>,
    %get3A_196 = arith.index_cast %add3A_183 : i32 to index
    %get3A_197 = tpu.vector_load %arg11[%get3A_196] {strides = array<i32>} : memref<5120xf32, #tpu.memory_space<vmem>>, vector<16xf32>,
    %swap3A_198 = arith.constant 128 : index
    %swap3A_199 = tpu.vector_load %arg21[%swap3A_198] {strides = array<i32>} : memref<320xf32, #tpu.memory_space<vmem>>, vector<16xf32>,
    tpu.vector_store %arg21[%swap3A_198], %get3A_197 {strides = array<i32>} : memref<320xf32, #tpu.memory_space<vmem>>, vector<16xf32>,
    %get3A_200 = arith.index_cast %add3A_183 : i32 to index
    %get3A_201 = tpu.vector_load %arg12[%get3A_200] {strides = array<i32>} : memref<5120xf32, #tpu.memory_space<vmem>>, vector<16xf32>,
    %swap3A_202 = arith.constant 128 : index
    %swap3A_203 = tpu.vector_load %arg22[%swap3A_202] {strides = array<i32>} : memref<320xf32, #tpu.memory_space<vmem>>, vector<16xf32>,
    tpu.vector_store %arg22[%swap3A_202], %get3A_201 {strides = array<i32>} : memref<320xf32, #tpu.memory_space<vmem>>, vector<16xf32>,
    %add3A_204 = arith.constant 144 : i32
    %add3A_205 = arith.addi %mul3A_0, %add3A_204 : i32
    %get3A_206 = arith.index_cast %add3A_205 : i32 to index
    %get3A_207 = tpu.vector_load %arg8[%get3A_206] {strides = array<i32>} : memref<5120xf32, #tpu.memory_space<vmem>>, vector<16xf32>,
    %swap3A_208 = arith.constant 144 : index
    %swap3A_209 = tpu.vector_load %arg18[%swap3A_208] {strides = array<i32>} : memref<320xf32, #tpu.memory_space<vmem>>, vector<16xf32>,
    tpu.vector_store %arg18[%swap3A_208], %get3A_207 {strides = array<i32>} : memref<320xf32, #tpu.memory_space<vmem>>, vector<16xf32>,
    %get3A_210 = arith.index_cast %add3A_205 : i32 to index
    %get3A_211 = tpu.vector_load %arg9[%get3A_210] {strides = array<i32>} : memref<5120xf32, #tpu.memory_space<vmem>>, vector<16xf32>,
    %swap3A_212 = arith.constant 144 : index
    %swap3A_213 = tpu.vector_load %arg19[%swap3A_212] {strides = array<i32>} : memref<320xf32, #tpu.memory_space<vmem>>, vector<16xf32>,
    tpu.vector_store %arg19[%swap3A_212], %get3A_211 {strides = array<i32>} : memref<320xf32, #tpu.memory_space<vmem>>, vector<16xf32>,
    %get3A_214 = arith.index_cast %add3A_205 : i32 to index
    %get3A_215 = tpu.vector_load %arg10[%get3A_214] {strides = array<i32>} : memref<5120xf32, #tpu.memory_space<vmem>>, vector<16xf32>,
    %swap3A_216 = arith.constant 144 : index
    %swap3A_217 = tpu.vector_load %arg20[%swap3A_216] {strides = array<i32>} : memref<320xf32, #tpu.memory_space<vmem>>, vector<16xf32>,
    tpu.vector_store %arg20[%swap3A_216], %get3A_215 {strides = array<i32>} : memref<320xf32, #tpu.memory_space<vmem>>, vector<16xf32>,
    %get3A_218 = arith.index_cast %add3A_205 : i32 to index
    %get3A_219 = tpu.vector_load %arg11[%get3A_218] {strides = array<i32>} : memref<5120xf32, #tpu.memory_space<vmem>>, vector<16xf32>,
    %swap3A_220 = arith.constant 144 : index
    %swap3A_221 = tpu.vector_load %arg21[%swap3A_220] {strides = array<i32>} : memref<320xf32, #tpu.memory_space<vmem>>, vector<16xf32>,
    tpu.vector_store %arg21[%swap3A_220], %get3A_219 {strides = array<i32>} : memref<320xf32, #tpu.memory_space<vmem>>, vector<16xf32>,
    %get3A_222 = arith.index_cast %add3A_205 : i32 to index
    %get3A_223 = tpu.vector_load %arg12[%get3A_222] {strides = array<i32>} : memref<5120xf32, #tpu.memory_space<vmem>>, vector<16xf32>,
    %swap3A_224 = arith.constant 144 : index
    %swap3A_225 = tpu.vector_load %arg22[%swap3A_224] {strides = array<i32>} : memref<320xf32, #tpu.memory_space<vmem>>, vector<16xf32>,
    tpu.vector_store %arg22[%swap3A_224], %get3A_223 {strides = array<i32>} : memref<320xf32, #tpu.memory_space<vmem>>, vector<16xf32>,
    %add3A_226 = arith.constant 160 : i32
    %add3A_227 = arith.addi %mul3A_0, %add3A_226 : i32
    %get3A_228 = arith.index_cast %add3A_227 : i32 to index
    %get3A_229 = tpu.vector_load %arg8[%get3A_228] {strides = array<i32>} : memref<5120xf32, #tpu.memory_space<vmem>>, vector<16xf32>,
    %swap3A_230 = arith.constant 160 : index
    %swap3A_231 = tpu.vector_load %arg18[%swap3A_230] {strides = array<i32>} : memref<320xf32, #tpu.memory_space<vmem>>, vector<16xf32>,
    tpu.vector_store %arg18[%swap3A_230], %get3A_229 {strides = array<i32>} : memref<320xf32, #tpu.memory_space<vmem>>, vector<16xf32>,
    %get3A_232 = arith.index_cast %add3A_227 : i32 to index
    %get3A_233 = tpu.vector_load %arg9[%get3A_232] {strides = array<i32>} : memref<5120xf32, #tpu.memory_space<vmem>>, vector<16xf32>,
    %swap3A_234 = arith.constant 160 : index
    %swap3A_235 = tpu.vector_load %arg19[%swap3A_234] {strides = array<i32>} : memref<320xf32, #tpu.memory_space<vmem>>, vector<16xf32>,
    tpu.vector_store %arg19[%swap3A_234], %get3A_233 {strides = array<i32>} : memref<320xf32, #tpu.memory_space<vmem>>, vector<16xf32>,
    %get3A_236 = arith.index_cast %add3A_227 : i32 to index
    %get3A_237 = tpu.vector_load %arg10[%get3A_236] {strides = array<i32>} : memref<5120xf32, #tpu.memory_space<vmem>>, vector<16xf32>,
    %swap3A_238 = arith.constant 160 : index
    %swap3A_239 = tpu.vector_load %arg20[%swap3A_238] {strides = array<i32>} : memref<320xf32, #tpu.memory_space<vmem>>, vector<16xf32>,
    tpu.vector_store %arg20[%swap3A_238], %get3A_237 {strides = array<i32>} : memref<320xf32, #tpu.memory_space<vmem>>, vector<16xf32>,
    %get3A_240 = arith.index_cast %add3A_227 : i32 to index
    %get3A_241 = tpu.vector_load %arg11[%get3A_240] {strides = array<i32>} : memref<5120xf32, #tpu.memory_space<vmem>>, vector<16xf32>,
    %swap3A_242 = arith.constant 160 : index
    %swap3A_243 = tpu.vector_load %arg21[%swap3A_242] {strides = array<i32>} : memref<320xf32, #tpu.memory_space<vmem>>, vector<16xf32>,
    tpu.vector_store %arg21[%swap3A_242], %get3A_241 {strides = array<i32>} : memref<320xf32, #tpu.memory_space<vmem>>, vector<16xf32>,
    %get3A_244 = arith.index_cast %add3A_227 : i32 to index
    %get3A_245 = tpu.vector_load %arg12[%get3A_244] {strides = array<i32>} : memref<5120xf32, #tpu.memory_space<vmem>>, vector<16xf32>,
    %swap3A_246 = arith.constant 160 : index
    %swap3A_247 = tpu.vector_load %arg22[%swap3A_246] {strides = array<i32>} : memref<320xf32, #tpu.memory_space<vmem>>, vector<16xf32>,
    tpu.vector_store %arg22[%swap3A_246], %get3A_245 {strides = array<i32>} : memref<320xf32, #tpu.memory_space<vmem>>, vector<16xf32>,
    %add3A_248 = arith.constant 176 : i32
    %add3A_249 = arith.addi %mul3A_0, %add3A_248 : i32
    %get3A_250 = arith.index_cast %add3A_249 : i32 to index
    %get3A_251 = tpu.vector_load %arg8[%get3A_250] {strides = array<i32>} : memref<5120xf32, #tpu.memory_space<vmem>>, vector<16xf32>,
    %swap3A_252 = arith.constant 176 : index
    %swap3A_253 = tpu.vector_load %arg18[%swap3A_252] {strides = array<i32>} : memref<320xf32, #tpu.memory_space<vmem>>, vector<16xf32>,
    tpu.vector_store %arg18[%swap3A_252], %get3A_251 {strides = array<i32>} : memref<320xf32, #tpu.memory_space<vmem>>, vector<16xf32>,
    %get3A_254 = arith.index_cast %add3A_249 : i32 to index
    %get3A_255 = tpu.vector_load %arg9[%get3A_254] {strides = array<i32>} : memref<5120xf32, #tpu.memory_space<vmem>>, vector<16xf32>,
    %swap3A_256 = arith.constant 176 : index
    %swap3A_257 = tpu.vector_load %arg19[%swap3A_256] {strides = array<i32>} : memref<320xf32, #tpu.memory_space<vmem>>, vector<16xf32>,
    tpu.vector_store %arg19[%swap3A_256], %get3A_255 {strides = array<i32>} : memref<320xf32, #tpu.memory_space<vmem>>, vector<16xf32>,
    %get3A_258 = arith.index_cast %add3A_249 : i32 to index
    %get3A_259 = tpu.vector_load %arg10[%get3A_258] {strides = array<i32>} : memref<5120xf32, #tpu.memory_space<vmem>>, vector<16xf32>,
    %swap3A_260 = arith.constant 176 : index
    %swap3A_261 = tpu.vector_load %arg20[%swap3A_260] {strides = array<i32>} : memref<320xf32, #tpu.memory_space<vmem>>, vector<16xf32>,
    tpu.vector_store %arg20[%swap3A_260], %get3A_259 {strides = array<i32>} : memref<320xf32, #tpu.memory_space<vmem>>, vector<16xf32>,
    %get3A_262 = arith.index_cast %add3A_249 : i32 to index
    %get3A_263 = tpu.vector_load %arg11[%get3A_262] {strides = array<i32>} : memref<5120xf32, #tpu.memory_space<vmem>>, vector<16xf32>,
    %swap3A_264 = arith.constant 176 : index
    %swap3A_265 = tpu.vector_load %arg21[%swap3A_264] {strides = array<i32>} : memref<320xf32, #tpu.memory_space<vmem>>, vector<16xf32>,
    tpu.vector_store %arg21[%swap3A_264], %get3A_263 {strides = array<i32>} : memref<320xf32, #tpu.memory_space<vmem>>, vector<16xf32>,
    %get3A_266 = arith.index_cast %add3A_249 : i32 to index
    %get3A_267 = tpu.vector_load %arg12[%get3A_266] {strides = array<i32>} : memref<5120xf32, #tpu.memory_space<vmem>>, vector<16xf32>,
    %swap3A_268 = arith.constant 176 : index
    %swap3A_269 = tpu.vector_load %arg22[%swap3A_268] {strides = array<i32>} : memref<320xf32, #tpu.memory_space<vmem>>, vector<16xf32>,
    tpu.vector_store %arg22[%swap3A_268], %get3A_267 {strides = array<i32>} : memref<320xf32, #tpu.memory_space<vmem>>, vector<16xf32>,
    %add3A_270 = arith.constant 192 : i32
    %add3A_271 = arith.addi %mul3A_0, %add3A_270 : i32
    %get3A_272 = arith.index_cast %add3A_271 : i32 to index
    %get3A_273 = tpu.vector_load %arg8[%get3A_272] {strides = array<i32>} : memref<5120xf32, #tpu.memory_space<vmem>>, vector<16xf32>,
    %swap3A_274 = arith.constant 192 : index
    %swap3A_275 = tpu.vector_load %arg18[%swap3A_274] {strides = array<i32>} : memref<320xf32, #tpu.memory_space<vmem>>, vector<16xf32>,
    tpu.vector_store %arg18[%swap3A_274], %get3A_273 {strides = array<i32>} : memref<320xf32, #tpu.memory_space<vmem>>, vector<16xf32>,
    %get3A_276 = arith.index_cast %add3A_271 : i32 to index
    %get3A_277 = tpu.vector_load %arg9[%get3A_276] {strides = array<i32>} : memref<5120xf32, #tpu.memory_space<vmem>>, vector<16xf32>,
    %swap3A_278 = arith.constant 192 : index
    %swap3A_279 = tpu.vector_load %arg19[%swap3A_278] {strides = array<i32>} : memref<320xf32, #tpu.memory_space<vmem>>, vector<16xf32>,
    tpu.vector_store %arg19[%swap3A_278], %get3A_277 {strides = array<i32>} : memref<320xf32, #tpu.memory_space<vmem>>, vector<16xf32>,
    %get3A_280 = arith.index_cast %add3A_271 : i32 to index
    %get3A_281 = tpu.vector_load %arg10[%get3A_280] {strides = array<i32>} : memref<5120xf32, #tpu.memory_space<vmem>>, vector<16xf32>,
    %swap3A_282 = arith.constant 192 : index
    %swap3A_283 = tpu.vector_load %arg20[%swap3A_282] {strides = array<i32>} : memref<320xf32, #tpu.memory_space<vmem>>, vector<16xf32>,
    tpu.vector_store %arg20[%swap3A_282], %get3A_281 {strides = array<i32>} : memref<320xf32, #tpu.memory_space<vmem>>, vector<16xf32>,
    %get3A_284 = arith.index_cast %add3A_271 : i32 to index
    %get3A_285 = tpu.vector_load %arg11[%get3A_284] {strides = array<i32>} : memref<5120xf32, #tpu.memory_space<vmem>>, vector<16xf32>,
    %swap3A_286 = arith.constant 192 : index
    %swap3A_287 = tpu.vector_load %arg21[%swap3A_286] {strides = array<i32>} : memref<320xf32, #tpu.memory_space<vmem>>, vector<16xf32>,
    tpu.vector_store %arg21[%swap3A_286], %get3A_285 {strides = array<i32>} : memref<320xf32, #tpu.memory_space<vmem>>, vector<16xf32>,
    %get3A_288 = arith.index_cast %add3A_271 : i32 to index
    %get3A_289 = tpu.vector_load %arg12[%get3A_288] {strides = array<i32>} : memref<5120xf32, #tpu.memory_space<vmem>>, vector<16xf32>,
    %swap3A_290 = arith.constant 192 : index
    %swap3A_291 = tpu.vector_load %arg22[%swap3A_290] {strides = array<i32>} : memref<320xf32, #tpu.memory_space<vmem>>, vector<16xf32>,
    tpu.vector_store %arg22[%swap3A_290], %get3A_289 {strides = array<i32>} : memref<320xf32, #tpu.memory_space<vmem>>, vector<16xf32>,
    %add3A_292 = arith.constant 208 : i32
    %add3A_293 = arith.addi %mul3A_0, %add3A_292 : i32
    %get3A_294 = arith.index_cast %add3A_293 : i32 to index
    %get3A_295 = tpu.vector_load %arg8[%get3A_294] {strides = array<i32>} : memref<5120xf32, #tpu.memory_space<vmem>>, vector<16xf32>,
    %swap3A_296 = arith.constant 208 : index
    %swap3A_297 = tpu.vector_load %arg18[%swap3A_296] {strides = array<i32>} : memref<320xf32, #tpu.memory_space<vmem>>, vector<16xf32>,
    tpu.vector_store %arg18[%swap3A_296], %get3A_295 {strides = array<i32>} : memref<320xf32, #tpu.memory_space<vmem>>, vector<16xf32>,
    %get3A_298 = arith.index_cast %add3A_293 : i32 to index
    %get3A_299 = tpu.vector_load %arg9[%get3A_298] {strides = array<i32>} : memref<5120xf32, #tpu.memory_space<vmem>>, vector<16xf32>,
    %swap3A_300 = arith.constant 208 : index
    %swap3A_301 = tpu.vector_load %arg19[%swap3A_300] {strides = array<i32>} : memref<320xf32, #tpu.memory_space<vmem>>, vector<16xf32>,
    tpu.vector_store %arg19[%swap3A_300], %get3A_299 {strides = array<i32>} : memref<320xf32, #tpu.memory_space<vmem>>, vector<16xf32>,
    %get3A_302 = arith.index_cast %add3A_293 : i32 to index
    %get3A_303 = tpu.vector_load %arg10[%get3A_302] {strides = array<i32>} : memref<5120xf32, #tpu.memory_space<vmem>>, vector<16xf32>,
    %swap3A_304 = arith.constant 208 : index
    %swap3A_305 = tpu.vector_load %arg20[%swap3A_304] {strides = array<i32>} : memref<320xf32, #tpu.memory_space<vmem>>, vector<16xf32>,
    tpu.vector_store %arg20[%swap3A_304], %get3A_303 {strides = array<i32>} : memref<320xf32, #tpu.memory_space<vmem>>, vector<16xf32>,
    %get3A_306 = arith.index_cast %add3A_293 : i32 to index
    %get3A_307 = tpu.vector_load %arg11[%get3A_306] {strides = array<i32>} : memref<5120xf32, #tpu.memory_space<vmem>>, vector<16xf32>,
    %swap3A_308 = arith.constant 208 : index
    %swap3A_309 = tpu.vector_load %arg21[%swap3A_308] {strides = array<i32>} : memref<320xf32, #tpu.memory_space<vmem>>, vector<16xf32>,
    tpu.vector_store %arg21[%swap3A_308], %get3A_307 {strides = array<i32>} : memref<320xf32, #tpu.memory_space<vmem>>, vector<16xf32>,
    %get3A_310 = arith.index_cast %add3A_293 : i32 to index
    %get3A_311 = tpu.vector_load %arg12[%get3A_310] {strides = array<i32>} : memref<5120xf32, #tpu.memory_space<vmem>>, vector<16xf32>,
    %swap3A_312 = arith.constant 208 : index
    %swap3A_313 = tpu.vector_load %arg22[%swap3A_312] {strides = array<i32>} : memref<320xf32, #tpu.memory_space<vmem>>, vector<16xf32>,
    tpu.vector_store %arg22[%swap3A_312], %get3A_311 {strides = array<i32>} : memref<320xf32, #tpu.memory_space<vmem>>, vector<16xf32>,
    %add3A_314 = arith.constant 224 : i32
    %add3A_315 = arith.addi %mul3A_0, %add3A_314 : i32
    %get3A_316 = arith.index_cast %add3A_315 : i32 to index
    %get3A_317 = tpu.vector_load %arg8[%get3A_316] {strides = array<i32>} : memref<5120xf32, #tpu.memory_space<vmem>>, vector<16xf32>,
    %swap3A_318 = arith.constant 224 : index
    %swap3A_319 = tpu.vector_load %arg18[%swap3A_318] {strides = array<i32>} : memref<320xf32, #tpu.memory_space<vmem>>, vector<16xf32>,
    tpu.vector_store %arg18[%swap3A_318], %get3A_317 {strides = array<i32>} : memref<320xf32, #tpu.memory_space<vmem>>, vector<16xf32>,
    %get3A_320 = arith.index_cast %add3A_315 : i32 to index
    %get3A_321 = tpu.vector_load %arg9[%get3A_320] {strides = array<i32>} : memref<5120xf32, #tpu.memory_space<vmem>>, vector<16xf32>,
    %swap3A_322 = arith.constant 224 : index
    %swap3A_323 = tpu.vector_load %arg19[%swap3A_322] {strides = array<i32>} : memref<320xf32, #tpu.memory_space<vmem>>, vector<16xf32>,
    tpu.vector_store %arg19[%swap3A_322], %get3A_321 {strides = array<i32>} : memref<320xf32, #tpu.memory_space<vmem>>, vector<16xf32>,
    %get3A_324 = arith.index_cast %add3A_315 : i32 to index
    %get3A_325 = tpu.vector_load %arg10[%get3A_324] {strides = array<i32>} : memref<5120xf32, #tpu.memory_space<vmem>>, vector<16xf32>,
    %swap3A_326 = arith.constant 224 : index
    %swap3A_327 = tpu.vector_load %arg20[%swap3A_326] {strides = array<i32>} : memref<320xf32, #tpu.memory_space<vmem>>, vector<16xf32>,
    tpu.vector_store %arg20[%swap3A_326], %get3A_325 {strides = array<i32>} : memref<320xf32, #tpu.memory_space<vmem>>, vector<16xf32>,
    %get3A_328 = arith.index_cast %add3A_315 : i32 to index
    %get3A_329 = tpu.vector_load %arg11[%get3A_328] {strides = array<i32>} : memref<5120xf32, #tpu.memory_space<vmem>>, vector<16xf32>,
    %swap3A_330 = arith.constant 224 : index
    %swap3A_331 = tpu.vector_load %arg21[%swap3A_330] {strides = array<i32>} : memref<320xf32, #tpu.memory_space<vmem>>, vector<16xf32>,
    tpu.vector_store %arg21[%swap3A_330], %get3A_329 {strides = array<i32>} : memref<320xf32, #tpu.memory_space<vmem>>, vector<16xf32>,
    %get3A_332 = arith.index_cast %add3A_315 : i32 to index
    %get3A_333 = tpu.vector_load %arg12[%get3A_332] {strides = array<i32>} : memref<5120xf32, #tpu.memory_space<vmem>>, vector<16xf32>,
    %swap3A_334 = arith.constant 224 : index
    %swap3A_335 = tpu.vector_load %arg22[%swap3A_334] {strides = array<i32>} : memref<320xf32, #tpu.memory_space<vmem>>, vector<16xf32>,
    tpu.vector_store %arg22[%swap3A_334], %get3A_333 {strides = array<i32>} : memref<320xf32, #tpu.memory_space<vmem>>, vector<16xf32>,
    %add3A_336 = arith.constant 240 : i32
    %add3A_337 = arith.addi %mul3A_0, %add3A_336 : i32
    %get3A_338 = arith.index_cast %add3A_337 : i32 to index
    %get3A_339 = tpu.vector_load %arg8[%get3A_338] {strides = array<i32>} : memref<5120xf32, #tpu.memory_space<vmem>>, vector<16xf32>,
    %swap3A_340 = arith.constant 240 : index
    %swap3A_341 = tpu.vector_load %arg18[%swap3A_340] {strides = array<i32>} : memref<320xf32, #tpu.memory_space<vmem>>, vector<16xf32>,
    tpu.vector_store %arg18[%swap3A_340], %get3A_339 {strides = array<i32>} : memref<320xf32, #tpu.memory_space<vmem>>, vector<16xf32>,
    %get3A_342 = arith.index_cast %add3A_337 : i32 to index
    %get3A_343 = tpu.vector_load %arg9[%get3A_342] {strides = array<i32>} : memref<5120xf32, #tpu.memory_space<vmem>>, vector<16xf32>,
    %swap3A_344 = arith.constant 240 : index
    %swap3A_345 = tpu.vector_load %arg19[%swap3A_344] {strides = array<i32>} : memref<320xf32, #tpu.memory_space<vmem>>, vector<16xf32>,
    tpu.vector_store %arg19[%swap3A_344], %get3A_343 {strides = array<i32>} : memref<320xf32, #tpu.memory_space<vmem>>, vector<16xf32>,
    %get3A_346 = arith.index_cast %add3A_337 : i32 to index
    %get3A_347 = tpu.vector_load %arg10[%get3A_346] {strides = array<i32>} : memref<5120xf32, #tpu.memory_space<vmem>>, vector<16xf32>,
    %swap3A_348 = arith.constant 240 : index
    %swap3A_349 = tpu.vector_load %arg20[%swap3A_348] {strides = array<i32>} : memref<320xf32, #tpu.memory_space<vmem>>, vector<16xf32>,
    tpu.vector_store %arg20[%swap3A_348], %get3A_347 {strides = array<i32>} : memref<320xf32, #tpu.memory_space<vmem>>, vector<16xf32>,
    %get3A_350 = arith.index_cast %add3A_337 : i32 to index
    %get3A_351 = tpu.vector_load %arg11[%get3A_350] {strides = array<i32>} : memref<5120xf32, #tpu.memory_space<vmem>>, vector<16xf32>,
    %swap3A_352 = arith.constant 240 : index
    %swap3A_353 = tpu.vector_load %arg21[%swap3A_352] {strides = array<i32>} : memref<320xf32, #tpu.memory_space<vmem>>, vector<16xf32>,
    tpu.vector_store %arg21[%swap3A_352], %get3A_351 {strides = array<i32>} : memref<320xf32, #tpu.memory_space<vmem>>, vector<16xf32>,
    %get3A_354 = arith.index_cast %add3A_337 : i32 to index
    %get3A_355 = tpu.vector_load %arg12[%get3A_354] {strides = array<i32>} : memref<5120xf32, #tpu.memory_space<vmem>>, vector<16xf32>,
    %swap3A_356 = arith.constant 240 : index
    %swap3A_357 = tpu.vector_load %arg22[%swap3A_356] {strides = array<i32>} : memref<320xf32, #tpu.memory_space<vmem>>, vector<16xf32>,
    tpu.vector_store %arg22[%swap3A_356], %get3A_355 {strides = array<i32>} : memref<320xf32, #tpu.memory_space<vmem>>, vector<16xf32>,
    %add3A_358 = arith.constant 256 : i32
    %add3A_359 = arith.addi %mul3A_0, %add3A_358 : i32
    %get3A_360 = arith.index_cast %add3A_359 : i32 to index
    %get3A_361 = tpu.vector_load %arg8[%get3A_360] {strides = array<i32>} : memref<5120xf32, #tpu.memory_space<vmem>>, vector<16xf32>,
    %swap3A_362 = arith.constant 256 : index
    %swap3A_363 = tpu.vector_load %arg18[%swap3A_362] {strides = array<i32>} : memref<320xf32, #tpu.memory_space<vmem>>, vector<16xf32>,
    tpu.vector_store %arg18[%swap3A_362], %get3A_361 {strides = array<i32>} : memref<320xf32, #tpu.memory_space<vmem>>, vector<16xf32>,
    %get3A_364 = arith.index_cast %add3A_359 : i32 to index
    %get3A_365 = tpu.vector_load %arg9[%get3A_364] {strides = array<i32>} : memref<5120xf32, #tpu.memory_space<vmem>>, vector<16xf32>,
    %swap3A_366 = arith.constant 256 : index
    %swap3A_367 = tpu.vector_load %arg19[%swap3A_366] {strides = array<i32>} : memref<320xf32, #tpu.memory_space<vmem>>, vector<16xf32>,
    tpu.vector_store %arg19[%swap3A_366], %get3A_365 {strides = array<i32>} : memref<320xf32, #tpu.memory_space<vmem>>, vector<16xf32>,
    %get3A_368 = arith.index_cast %add3A_359 : i32 to index
    %get3A_369 = tpu.vector_load %arg10[%get3A_368] {strides = array<i32>} : memref<5120xf32, #tpu.memory_space<vmem>>, vector<16xf32>,
    %swap3A_370 = arith.constant 256 : index
    %swap3A_371 = tpu.vector_load %arg20[%swap3A_370] {strides = array<i32>} : memref<320xf32, #tpu.memory_space<vmem>>, vector<16xf32>,
    tpu.vector_store %arg20[%swap3A_370], %get3A_369 {strides = array<i32>} : memref<320xf32, #tpu.memory_space<vmem>>, vector<16xf32>,
    %get3A_372 = arith.index_cast %add3A_359 : i32 to index
    %get3A_373 = tpu.vector_load %arg11[%get3A_372] {strides = array<i32>} : memref<5120xf32, #tpu.memory_space<vmem>>, vector<16xf32>,
    %swap3A_374 = arith.constant 256 : index
    %swap3A_375 = tpu.vector_load %arg21[%swap3A_374] {strides = array<i32>} : memref<320xf32, #tpu.memory_space<vmem>>, vector<16xf32>,
    tpu.vector_store %arg21[%swap3A_374], %get3A_373 {strides = array<i32>} : memref<320xf32, #tpu.memory_space<vmem>>, vector<16xf32>,
    %get3A_376 = arith.index_cast %add3A_359 : i32 to index
    %get3A_377 = tpu.vector_load %arg12[%get3A_376] {strides = array<i32>} : memref<5120xf32, #tpu.memory_space<vmem>>, vector<16xf32>,
    %swap3A_378 = arith.constant 256 : index
    %swap3A_379 = tpu.vector_load %arg22[%swap3A_378] {strides = array<i32>} : memref<320xf32, #tpu.memory_space<vmem>>, vector<16xf32>,
    tpu.vector_store %arg22[%swap3A_378], %get3A_377 {strides = array<i32>} : memref<320xf32, #tpu.memory_space<vmem>>, vector<16xf32>,
    %add3A_380 = arith.constant 272 : i32
    %add3A_381 = arith.addi %mul3A_0, %add3A_380 : i32
    %get3A_382 = arith.index_cast %add3A_381 : i32 to index
    %get3A_383 = tpu.vector_load %arg8[%get3A_382] {strides = array<i32>} : memref<5120xf32, #tpu.memory_space<vmem>>, vector<16xf32>,
    %swap3A_384 = arith.constant 272 : index
    %swap3A_385 = tpu.vector_load %arg18[%swap3A_384] {strides = array<i32>} : memref<320xf32, #tpu.memory_space<vmem>>, vector<16xf32>,
    tpu.vector_store %arg18[%swap3A_384], %get3A_383 {strides = array<i32>} : memref<320xf32, #tpu.memory_space<vmem>>, vector<16xf32>,
    %get3A_386 = arith.index_cast %add3A_381 : i32 to index
    %get3A_387 = tpu.vector_load %arg9[%get3A_386] {strides = array<i32>} : memref<5120xf32, #tpu.memory_space<vmem>>, vector<16xf32>,
    %swap3A_388 = arith.constant 272 : index
    %swap3A_389 = tpu.vector_load %arg19[%swap3A_388] {strides = array<i32>} : memref<320xf32, #tpu.memory_space<vmem>>, vector<16xf32>,
    tpu.vector_store %arg19[%swap3A_388], %get3A_387 {strides = array<i32>} : memref<320xf32, #tpu.memory_space<vmem>>, vector<16xf32>,
    %get3A_390 = arith.index_cast %add3A_381 : i32 to index
    %get3A_391 = tpu.vector_load %arg10[%get3A_390] {strides = array<i32>} : memref<5120xf32, #tpu.memory_space<vmem>>, vector<16xf32>,
    %swap3A_392 = arith.constant 272 : index
    %swap3A_393 = tpu.vector_load %arg20[%swap3A_392] {strides = array<i32>} : memref<320xf32, #tpu.memory_space<vmem>>, vector<16xf32>,
    tpu.vector_store %arg20[%swap3A_392], %get3A_391 {strides = array<i32>} : memref<320xf32, #tpu.memory_space<vmem>>, vector<16xf32>,
    %get3A_394 = arith.index_cast %add3A_381 : i32 to index
    %get3A_395 = tpu.vector_load %arg11[%get3A_394] {strides = array<i32>} : memref<5120xf32, #tpu.memory_space<vmem>>, vector<16xf32>,
    %swap3A_396 = arith.constant 272 : index
    %swap3A_397 = tpu.vector_load %arg21[%swap3A_396] {strides = array<i32>} : memref<320xf32, #tpu.memory_space<vmem>>, vector<16xf32>,
    tpu.vector_store %arg21[%swap3A_396], %get3A_395 {strides = array<i32>} : memref<320xf32, #tpu.memory_space<vmem>>, vector<16xf32>,
    %get3A_398 = arith.index_cast %add3A_381 : i32 to index
    %get3A_399 = tpu.vector_load %arg12[%get3A_398] {strides = array<i32>} : memref<5120xf32, #tpu.memory_space<vmem>>, vector<16xf32>,
    %swap3A_400 = arith.constant 272 : index
    %swap3A_401 = tpu.vector_load %arg22[%swap3A_400] {strides = array<i32>} : memref<320xf32, #tpu.memory_space<vmem>>, vector<16xf32>,
    tpu.vector_store %arg22[%swap3A_400], %get3A_399 {strides = array<i32>} : memref<320xf32, #tpu.memory_space<vmem>>, vector<16xf32>,
    %add3A_402 = arith.constant 288 : i32
    %add3A_403 = arith.addi %mul3A_0, %add3A_402 : i32
    %get3A_404 = arith.index_cast %add3A_403 : i32 to index
    %get3A_405 = tpu.vector_load %arg8[%get3A_404] {strides = array<i32>} : memref<5120xf32, #tpu.memory_space<vmem>>, vector<16xf32>,
    %swap3A_406 = arith.constant 288 : index
    %swap3A_407 = tpu.vector_load %arg18[%swap3A_406] {strides = array<i32>} : memref<320xf32, #tpu.memory_space<vmem>>, vector<16xf32>,
    tpu.vector_store %arg18[%swap3A_406], %get3A_405 {strides = array<i32>} : memref<320xf32, #tpu.memory_space<vmem>>, vector<16xf32>,
    %get3A_408 = arith.index_cast %add3A_403 : i32 to index
    %get3A_409 = tpu.vector_load %arg9[%get3A_408] {strides = array<i32>} : memref<5120xf32, #tpu.memory_space<vmem>>, vector<16xf32>,
    %swap3A_410 = arith.constant 288 : index
    %swap3A_411 = tpu.vector_load %arg19[%swap3A_410] {strides = array<i32>} : memref<320xf32, #tpu.memory_space<vmem>>, vector<16xf32>,
    tpu.vector_store %arg19[%swap3A_410], %get3A_409 {strides = array<i32>} : memref<320xf32, #tpu.memory_space<vmem>>, vector<16xf32>,
    %get3A_412 = arith.index_cast %add3A_403 : i32 to index
    %get3A_413 = tpu.vector_load %arg10[%get3A_412] {strides = array<i32>} : memref<5120xf32, #tpu.memory_space<vmem>>, vector<16xf32>,
    %swap3A_414 = arith.constant 288 : index
    %swap3A_415 = tpu.vector_load %arg20[%swap3A_414] {strides = array<i32>} : memref<320xf32, #tpu.memory_space<vmem>>, vector<16xf32>,
    tpu.vector_store %arg20[%swap3A_414], %get3A_413 {strides = array<i32>} : memref<320xf32, #tpu.memory_space<vmem>>, vector<16xf32>,
    %get3A_416 = arith.index_cast %add3A_403 : i32 to index
    %get3A_417 = tpu.vector_load %arg11[%get3A_416] {strides = array<i32>} : memref<5120xf32, #tpu.memory_space<vmem>>, vector<16xf32>,
    %swap3A_418 = arith.constant 288 : index
    %swap3A_419 = tpu.vector_load %arg21[%swap3A_418] {strides = array<i32>} : memref<320xf32, #tpu.memory_space<vmem>>, vector<16xf32>,
    tpu.vector_store %arg21[%swap3A_418], %get3A_417 {strides = array<i32>} : memref<320xf32, #tpu.memory_space<vmem>>, vector<16xf32>,
    %get3A_420 = arith.index_cast %add3A_403 : i32 to index
    %get3A_421 = tpu.vector_load %arg12[%get3A_420] {strides = array<i32>} : memref<5120xf32, #tpu.memory_space<vmem>>, vector<16xf32>,
    %swap3A_422 = arith.constant 288 : index
    %swap3A_423 = tpu.vector_load %arg22[%swap3A_422] {strides = array<i32>} : memref<320xf32, #tpu.memory_space<vmem>>, vector<16xf32>,
    tpu.vector_store %arg22[%swap3A_422], %get3A_421 {strides = array<i32>} : memref<320xf32, #tpu.memory_space<vmem>>, vector<16xf32>,
    %add3A_424 = arith.constant 304 : i32
    %add3A_425 = arith.addi %mul3A_0, %add3A_424 : i32
    %get3A_426 = arith.index_cast %add3A_425 : i32 to index
    %get3A_427 = tpu.vector_load %arg8[%get3A_426] {strides = array<i32>} : memref<5120xf32, #tpu.memory_space<vmem>>, vector<16xf32>,
    %swap3A_428 = arith.constant 304 : index
    %swap3A_429 = tpu.vector_load %arg18[%swap3A_428] {strides = array<i32>} : memref<320xf32, #tpu.memory_space<vmem>>, vector<16xf32>,
    tpu.vector_store %arg18[%swap3A_428], %get3A_427 {strides = array<i32>} : memref<320xf32, #tpu.memory_space<vmem>>, vector<16xf32>,
    %get3A_430 = arith.index_cast %add3A_425 : i32 to index
    %get3A_431 = tpu.vector_load %arg9[%get3A_430] {strides = array<i32>} : memref<5120xf32, #tpu.memory_space<vmem>>, vector<16xf32>,
    %swap3A_432 = arith.constant 304 : index
    %swap3A_433 = tpu.vector_load %arg19[%swap3A_432] {strides = array<i32>} : memref<320xf32, #tpu.memory_space<vmem>>, vector<16xf32>,
    tpu.vector_store %arg19[%swap3A_432], %get3A_431 {strides = array<i32>} : memref<320xf32, #tpu.memory_space<vmem>>, vector<16xf32>,
    %get3A_434 = arith.index_cast %add3A_425 : i32 to index
    %get3A_435 = tpu.vector_load %arg10[%get3A_434] {strides = array<i32>} : memref<5120xf32, #tpu.memory_space<vmem>>, vector<16xf32>,
    %swap3A_436 = arith.constant 304 : index
    %swap3A_437 = tpu.vector_load %arg20[%swap3A_436] {strides = array<i32>} : memref<320xf32, #tpu.memory_space<vmem>>, vector<16xf32>,
    tpu.vector_store %arg20[%swap3A_436], %get3A_435 {strides = array<i32>} : memref<320xf32, #tpu.memory_space<vmem>>, vector<16xf32>,
    %get3A_438 = arith.index_cast %add3A_425 : i32 to index
    %get3A_439 = tpu.vector_load %arg11[%get3A_438] {strides = array<i32>} : memref<5120xf32, #tpu.memory_space<vmem>>, vector<16xf32>,
    %swap3A_440 = arith.constant 304 : index
    %swap3A_441 = tpu.vector_load %arg21[%swap3A_440] {strides = array<i32>} : memref<320xf32, #tpu.memory_space<vmem>>, vector<16xf32>,
    tpu.vector_store %arg21[%swap3A_440], %get3A_439 {strides = array<i32>} : memref<320xf32, #tpu.memory_space<vmem>>, vector<16xf32>,
    %get3A_442 = arith.index_cast %add3A_425 : i32 to index
    %get3A_443 = tpu.vector_load %arg12[%get3A_442] {strides = array<i32>} : memref<5120xf32, #tpu.memory_space<vmem>>, vector<16xf32>,
    %swap3A_444 = arith.constant 304 : index
    %swap3A_445 = tpu.vector_load %arg22[%swap3A_444] {strides = array<i32>} : memref<320xf32, #tpu.memory_space<vmem>>, vector<16xf32>,
    tpu.vector_store %arg22[%swap3A_444], %get3A_443 {strides = array<i32>} : memref<320xf32, #tpu.memory_space<vmem>>, vector<16xf32>,
    %convert_element_type3A = arith.extui %and3A : i1 to i32
    %cond3A = arith.constant 0 : i32
    %cond3A_446 = arith.cmpi ne, %convert_element_type3A, %cond3A : i32
    scf.if %cond3A_446 {
      %broadcast_in_dim3A_604 = arith.constant 0.000000e+00 : f32
      %broadcast_in_dim3A_605 = vector.broadcast %broadcast_in_dim3A_604 : f32 to vector<16xf32>
      %swap3A_606 = arith.constant 0 : index
      %swap3A_607 = tpu.vector_load %arg17[%swap3A_606] {strides = array<i32>} : memref<304xf32, #tpu.memory_space<vmem>>, vector<16xf32>,
      tpu.vector_store %arg17[%swap3A_606], %broadcast_in_dim3A_605 {strides = array<i32>} : memref<304xf32, #tpu.memory_space<vmem>>, vector<16xf32>,
      %broadcast_in_dim3A_608 = arith.constant 0.000000e+00 : f32
      %broadcast_in_dim3A_609 = vector.broadcast %broadcast_in_dim3A_608 : f32 to vector<16xf32>
      %swap3A_610 = arith.constant 16 : index
      %swap3A_611 = tpu.vector_load %arg17[%swap3A_610] {strides = array<i32>} : memref<304xf32, #tpu.memory_space<vmem>>, vector<16xf32>,
      tpu.vector_store %arg17[%swap3A_610], %broadcast_in_dim3A_609 {strides = array<i32>} : memref<304xf32, #tpu.memory_space<vmem>>, vector<16xf32>,
      %broadcast_in_dim3A_612 = arith.constant 0.000000e+00 : f32
      %broadcast_in_dim3A_613 = vector.broadcast %broadcast_in_dim3A_612 : f32 to vector<16xf32>
      %swap3A_614 = arith.constant 32 : index
      %swap3A_615 = tpu.vector_load %arg17[%swap3A_614] {strides = array<i32>} : memref<304xf32, #tpu.memory_space<vmem>>, vector<16xf32>,
      tpu.vector_store %arg17[%swap3A_614], %broadcast_in_dim3A_613 {strides = array<i32>} : memref<304xf32, #tpu.memory_space<vmem>>, vector<16xf32>,
      %broadcast_in_dim3A_616 = arith.constant 0.000000e+00 : f32
      %broadcast_in_dim3A_617 = vector.broadcast %broadcast_in_dim3A_616 : f32 to vector<16xf32>
      %swap3A_618 = arith.constant 48 : index
      %swap3A_619 = tpu.vector_load %arg17[%swap3A_618] {strides = array<i32>} : memref<304xf32, #tpu.memory_space<vmem>>, vector<16xf32>,
      tpu.vector_store %arg17[%swap3A_618], %broadcast_in_dim3A_617 {strides = array<i32>} : memref<304xf32, #tpu.memory_space<vmem>>, vector<16xf32>,
      %broadcast_in_dim3A_620 = arith.constant 0.000000e+00 : f32
      %broadcast_in_dim3A_621 = vector.broadcast %broadcast_in_dim3A_620 : f32 to vector<16xf32>
      %swap3A_622 = arith.constant 64 : index
      %swap3A_623 = tpu.vector_load %arg17[%swap3A_622] {strides = array<i32>} : memref<304xf32, #tpu.memory_space<vmem>>, vector<16xf32>,
      tpu.vector_store %arg17[%swap3A_622], %broadcast_in_dim3A_621 {strides = array<i32>} : memref<304xf32, #tpu.memory_space<vmem>>, vector<16xf32>,
      %broadcast_in_dim3A_624 = arith.constant 0.000000e+00 : f32
      %broadcast_in_dim3A_625 = vector.broadcast %broadcast_in_dim3A_624 : f32 to vector<16xf32>
      %swap3A_626 = arith.constant 80 : index
      %swap3A_627 = tpu.vector_load %arg17[%swap3A_626] {strides = array<i32>} : memref<304xf32, #tpu.memory_space<vmem>>, vector<16xf32>,
      tpu.vector_store %arg17[%swap3A_626], %broadcast_in_dim3A_625 {strides = array<i32>} : memref<304xf32, #tpu.memory_space<vmem>>, vector<16xf32>,
      %broadcast_in_dim3A_628 = arith.constant 0.000000e+00 : f32
      %broadcast_in_dim3A_629 = vector.broadcast %broadcast_in_dim3A_628 : f32 to vector<16xf32>
      %swap3A_630 = arith.constant 96 : index
      %swap3A_631 = tpu.vector_load %arg17[%swap3A_630] {strides = array<i32>} : memref<304xf32, #tpu.memory_space<vmem>>, vector<16xf32>,
      tpu.vector_store %arg17[%swap3A_630], %broadcast_in_dim3A_629 {strides = array<i32>} : memref<304xf32, #tpu.memory_space<vmem>>, vector<16xf32>,
      %broadcast_in_dim3A_632 = arith.constant 0.000000e+00 : f32
      %broadcast_in_dim3A_633 = vector.broadcast %broadcast_in_dim3A_632 : f32 to vector<16xf32>
      %swap3A_634 = arith.constant 112 : index
      %swap3A_635 = tpu.vector_load %arg17[%swap3A_634] {strides = array<i32>} : memref<304xf32, #tpu.memory_space<vmem>>, vector<16xf32>,
      tpu.vector_store %arg17[%swap3A_634], %broadcast_in_dim3A_633 {strides = array<i32>} : memref<304xf32, #tpu.memory_space<vmem>>, vector<16xf32>,
      %broadcast_in_dim3A_636 = arith.constant 0.000000e+00 : f32
      %broadcast_in_dim3A_637 = vector.broadcast %broadcast_in_dim3A_636 : f32 to vector<16xf32>
      %swap3A_638 = arith.constant 128 : index
      %swap3A_639 = tpu.vector_load %arg17[%swap3A_638] {strides = array<i32>} : memref<304xf32, #tpu.memory_space<vmem>>, vector<16xf32>,
      tpu.vector_store %arg17[%swap3A_638], %broadcast_in_dim3A_637 {strides = array<i32>} : memref<304xf32, #tpu.memory_space<vmem>>, vector<16xf32>,
      %broadcast_in_dim3A_640 = arith.constant 0.000000e+00 : f32
      %broadcast_in_dim3A_641 = vector.broadcast %broadcast_in_dim3A_640 : f32 to vector<16xf32>
      %swap3A_642 = arith.constant 144 : index
      %swap3A_643 = tpu.vector_load %arg17[%swap3A_642] {strides = array<i32>} : memref<304xf32, #tpu.memory_space<vmem>>, vector<16xf32>,
      tpu.vector_store %arg17[%swap3A_642], %broadcast_in_dim3A_641 {strides = array<i32>} : memref<304xf32, #tpu.memory_space<vmem>>, vector<16xf32>,
      %broadcast_in_dim3A_644 = arith.constant 0.000000e+00 : f32
      %broadcast_in_dim3A_645 = vector.broadcast %broadcast_in_dim3A_644 : f32 to vector<16xf32>
      %swap3A_646 = arith.constant 160 : index
      %swap3A_647 = tpu.vector_load %arg17[%swap3A_646] {strides = array<i32>} : memref<304xf32, #tpu.memory_space<vmem>>, vector<16xf32>,
      tpu.vector_store %arg17[%swap3A_646], %broadcast_in_dim3A_645 {strides = array<i32>} : memref<304xf32, #tpu.memory_space<vmem>>, vector<16xf32>,
      %broadcast_in_dim3A_648 = arith.constant 0.000000e+00 : f32
      %broadcast_in_dim3A_649 = vector.broadcast %broadcast_in_dim3A_648 : f32 to vector<16xf32>
      %swap3A_650 = arith.constant 176 : index
      %swap3A_651 = tpu.vector_load %arg17[%swap3A_650] {strides = array<i32>} : memref<304xf32, #tpu.memory_space<vmem>>, vector<16xf32>,
      tpu.vector_store %arg17[%swap3A_650], %broadcast_in_dim3A_649 {strides = array<i32>} : memref<304xf32, #tpu.memory_space<vmem>>, vector<16xf32>,
      %broadcast_in_dim3A_652 = arith.constant 0.000000e+00 : f32
      %broadcast_in_dim3A_653 = vector.broadcast %broadcast_in_dim3A_652 : f32 to vector<16xf32>
      %swap3A_654 = arith.constant 192 : index
      %swap3A_655 = tpu.vector_load %arg17[%swap3A_654] {strides = array<i32>} : memref<304xf32, #tpu.memory_space<vmem>>, vector<16xf32>,
      tpu.vector_store %arg17[%swap3A_654], %broadcast_in_dim3A_653 {strides = array<i32>} : memref<304xf32, #tpu.memory_space<vmem>>, vector<16xf32>,
      %broadcast_in_dim3A_656 = arith.constant 0.000000e+00 : f32
      %broadcast_in_dim3A_657 = vector.broadcast %broadcast_in_dim3A_656 : f32 to vector<16xf32>
      %swap3A_658 = arith.constant 208 : index
      %swap3A_659 = tpu.vector_load %arg17[%swap3A_658] {strides = array<i32>} : memref<304xf32, #tpu.memory_space<vmem>>, vector<16xf32>,
      tpu.vector_store %arg17[%swap3A_658], %broadcast_in_dim3A_657 {strides = array<i32>} : memref<304xf32, #tpu.memory_space<vmem>>, vector<16xf32>,
      %broadcast_in_dim3A_660 = arith.constant 0.000000e+00 : f32
      %broadcast_in_dim3A_661 = vector.broadcast %broadcast_in_dim3A_660 : f32 to vector<16xf32>
      %swap3A_662 = arith.constant 224 : index
      %swap3A_663 = tpu.vector_load %arg17[%swap3A_662] {strides = array<i32>} : memref<304xf32, #tpu.memory_space<vmem>>, vector<16xf32>,
      tpu.vector_store %arg17[%swap3A_662], %broadcast_in_dim3A_661 {strides = array<i32>} : memref<304xf32, #tpu.memory_space<vmem>>, vector<16xf32>,
      %broadcast_in_dim3A_664 = arith.constant 0.000000e+00 : f32
      %broadcast_in_dim3A_665 = vector.broadcast %broadcast_in_dim3A_664 : f32 to vector<16xf32>
      %swap3A_666 = arith.constant 240 : index
      %swap3A_667 = tpu.vector_load %arg17[%swap3A_666] {strides = array<i32>} : memref<304xf32, #tpu.memory_space<vmem>>, vector<16xf32>,
      tpu.vector_store %arg17[%swap3A_666], %broadcast_in_dim3A_665 {strides = array<i32>} : memref<304xf32, #tpu.memory_space<vmem>>, vector<16xf32>,
      %broadcast_in_dim3A_668 = arith.constant 0.000000e+00 : f32
      %broadcast_in_dim3A_669 = vector.broadcast %broadcast_in_dim3A_668 : f32 to vector<16xf32>
      %swap3A_670 = arith.constant 256 : index
      %swap3A_671 = tpu.vector_load %arg17[%swap3A_670] {strides = array<i32>} : memref<304xf32, #tpu.memory_space<vmem>>, vector<16xf32>,
      tpu.vector_store %arg17[%swap3A_670], %broadcast_in_dim3A_669 {strides = array<i32>} : memref<304xf32, #tpu.memory_space<vmem>>, vector<16xf32>,
      %broadcast_in_dim3A_672 = arith.constant 0.000000e+00 : f32
      %broadcast_in_dim3A_673 = vector.broadcast %broadcast_in_dim3A_672 : f32 to vector<16xf32>
      %swap3A_674 = arith.constant 272 : index
      %swap3A_675 = tpu.vector_load %arg17[%swap3A_674] {strides = array<i32>} : memref<304xf32, #tpu.memory_space<vmem>>, vector<16xf32>,
      tpu.vector_store %arg17[%swap3A_674], %broadcast_in_dim3A_673 {strides = array<i32>} : memref<304xf32, #tpu.memory_space<vmem>>, vector<16xf32>,
      %broadcast_in_dim3A_676 = arith.constant 0.000000e+00 : f32
      %broadcast_in_dim3A_677 = vector.broadcast %broadcast_in_dim3A_676 : f32 to vector<16xf32>
      %swap3A_678 = arith.constant 288 : index
      %swap3A_679 = tpu.vector_load %arg17[%swap3A_678] {strides = array<i32>} : memref<304xf32, #tpu.memory_space<vmem>>, vector<16xf32>,
      tpu.vector_store %arg17[%swap3A_678], %broadcast_in_dim3A_677 {strides = array<i32>} : memref<304xf32, #tpu.memory_space<vmem>>, vector<16xf32>,
    } else {
    }
    %eq3A_447 = arith.constant 0 : i32
    %eq3A_448 = vector.broadcast %eq3A_447 : i32 to vector<16xi32>
    %eq3A_449 = arith.cmpi eq, %iota3A, %eq3A_448 : vector<16xi32>
    %get3A_450 = arith.constant 0 : index
    %get3A_451 = tpu.vector_load %arg13[%get3A_450] {strides = array<i32>} : memref<320xf32, #tpu.memory_space<vmem>>, vector<16xf32>,
    %broadcast_in_dim3A = arith.constant 0 : i32
    %broadcast_in_dim3A_452 = vector.broadcast %broadcast_in_dim3A : i32 to vector<16xi32>
    %get3A_453 = arith.constant 16 : index
    %get3A_454 = tpu.vector_load %arg13[%get3A_453] {strides = array<i32>} : memref<320xf32, #tpu.memory_space<vmem>>, vector<16xf32>,
    %gt3A = arith.cmpf ogt, %get3A_454, %get3A_451 : vector<16xf32>
    %jit3A = arith.constant 1 : i32
    %broadcast_in_dim3A_455 = vector.broadcast %jit3A : i32 to vector<16xi32>
    %select_n3A = arith.select %gt3A, %broadcast_in_dim3A_455, %broadcast_in_dim3A_452 : vector<16xi1>, vector<16xi32>
    %max3A = arith.maximumf %get3A_454, %get3A_451 : vector<16xf32>
    %get3A_456 = arith.constant 32 : index
    %get3A_457 = tpu.vector_load %arg13[%get3A_456] {strides = array<i32>} : memref<320xf32, #tpu.memory_space<vmem>>, vector<16xf32>,
    %gt3A_458 = arith.cmpf ogt, %get3A_457, %max3A : vector<16xf32>
    %jit3A_459 = arith.constant 2 : i32
    %broadcast_in_dim3A_460 = vector.broadcast %jit3A_459 : i32 to vector<16xi32>
    %select_n3A_461 = arith.select %gt3A_458, %broadcast_in_dim3A_460, %select_n3A : vector<16xi1>, vector<16xi32>
    %max3A_462 = arith.maximumf %get3A_457, %max3A : vector<16xf32>
    %get3A_463 = arith.constant 48 : index
    %get3A_464 = tpu.vector_load %arg13[%get3A_463] {strides = array<i32>} : memref<320xf32, #tpu.memory_space<vmem>>, vector<16xf32>,
    %gt3A_465 = arith.cmpf ogt, %get3A_464, %max3A_462 : vector<16xf32>
    %jit3A_466 = arith.constant 3 : i32
    %broadcast_in_dim3A_467 = vector.broadcast %jit3A_466 : i32 to vector<16xi32>
    %select_n3A_468 = arith.select %gt3A_465, %broadcast_in_dim3A_467, %select_n3A_461 : vector<16xi1>, vector<16xi32>
    %max3A_469 = arith.maximumf %get3A_464, %max3A_462 : vector<16xf32>
    %get3A_470 = arith.constant 64 : index
    %get3A_471 = tpu.vector_load %arg13[%get3A_470] {strides = array<i32>} : memref<320xf32, #tpu.memory_space<vmem>>, vector<16xf32>,
    %gt3A_472 = arith.cmpf ogt, %get3A_471, %max3A_469 : vector<16xf32>
    %jit3A_473 = arith.constant 4 : i32
    %broadcast_in_dim3A_474 = vector.broadcast %jit3A_473 : i32 to vector<16xi32>
    %select_n3A_475 = arith.select %gt3A_472, %broadcast_in_dim3A_474, %select_n3A_468 : vector<16xi1>, vector<16xi32>
    %max3A_476 = arith.maximumf %get3A_471, %max3A_469 : vector<16xf32>
    %get3A_477 = arith.constant 80 : index
    %get3A_478 = tpu.vector_load %arg13[%get3A_477] {strides = array<i32>} : memref<320xf32, #tpu.memory_space<vmem>>, vector<16xf32>,
    %gt3A_479 = arith.cmpf ogt, %get3A_478, %max3A_476 : vector<16xf32>
    %jit3A_480 = arith.constant 5 : i32
    %broadcast_in_dim3A_481 = vector.broadcast %jit3A_480 : i32 to vector<16xi32>
    %select_n3A_482 = arith.select %gt3A_479, %broadcast_in_dim3A_481, %select_n3A_475 : vector<16xi1>, vector<16xi32>
    %max3A_483 = arith.maximumf %get3A_478, %max3A_476 : vector<16xf32>
    %get3A_484 = arith.constant 96 : index
    %get3A_485 = tpu.vector_load %arg13[%get3A_484] {strides = array<i32>} : memref<320xf32, #tpu.memory_space<vmem>>, vector<16xf32>,
    %gt3A_486 = arith.cmpf ogt, %get3A_485, %max3A_483 : vector<16xf32>
    %jit3A_487 = arith.constant 6 : i32
    %broadcast_in_dim3A_488 = vector.broadcast %jit3A_487 : i32 to vector<16xi32>
    %select_n3A_489 = arith.select %gt3A_486, %broadcast_in_dim3A_488, %select_n3A_482 : vector<16xi1>, vector<16xi32>
    %max3A_490 = arith.maximumf %get3A_485, %max3A_483 : vector<16xf32>
    %get3A_491 = arith.constant 112 : index
    %get3A_492 = tpu.vector_load %arg13[%get3A_491] {strides = array<i32>} : memref<320xf32, #tpu.memory_space<vmem>>, vector<16xf32>,
    %gt3A_493 = arith.cmpf ogt, %get3A_492, %max3A_490 : vector<16xf32>
    %jit3A_494 = arith.constant 7 : i32
    %broadcast_in_dim3A_495 = vector.broadcast %jit3A_494 : i32 to vector<16xi32>
    %select_n3A_496 = arith.select %gt3A_493, %broadcast_in_dim3A_495, %select_n3A_489 : vector<16xi1>, vector<16xi32>
    %max3A_497 = arith.maximumf %get3A_492, %max3A_490 : vector<16xf32>
    %get3A_498 = arith.constant 128 : index
    %get3A_499 = tpu.vector_load %arg13[%get3A_498] {strides = array<i32>} : memref<320xf32, #tpu.memory_space<vmem>>, vector<16xf32>,
    %gt3A_500 = arith.cmpf ogt, %get3A_499, %max3A_497 : vector<16xf32>
    %jit3A_501 = arith.constant 8 : i32
    %broadcast_in_dim3A_502 = vector.broadcast %jit3A_501 : i32 to vector<16xi32>
    %select_n3A_503 = arith.select %gt3A_500, %broadcast_in_dim3A_502, %select_n3A_496 : vector<16xi1>, vector<16xi32>
    %max3A_504 = arith.maximumf %get3A_499, %max3A_497 : vector<16xf32>
    %get3A_505 = arith.constant 144 : index
    %get3A_506 = tpu.vector_load %arg13[%get3A_505] {strides = array<i32>} : memref<320xf32, #tpu.memory_space<vmem>>, vector<16xf32>,
    %gt3A_507 = arith.cmpf ogt, %get3A_506, %max3A_504 : vector<16xf32>
    %jit3A_508 = arith.constant 9 : i32
    %broadcast_in_dim3A_509 = vector.broadcast %jit3A_508 : i32 to vector<16xi32>
    %select_n3A_510 = arith.select %gt3A_507, %broadcast_in_dim3A_509, %select_n3A_503 : vector<16xi1>, vector<16xi32>
    %max3A_511 = arith.maximumf %get3A_506, %max3A_504 : vector<16xf32>
    %get3A_512 = arith.constant 160 : index
    %get3A_513 = tpu.vector_load %arg13[%get3A_512] {strides = array<i32>} : memref<320xf32, #tpu.memory_space<vmem>>, vector<16xf32>,
    %gt3A_514 = arith.cmpf ogt, %get3A_513, %max3A_511 : vector<16xf32>
    %jit3A_515 = arith.constant 10 : i32
    %broadcast_in_dim3A_516 = vector.broadcast %jit3A_515 : i32 to vector<16xi32>
    %select_n3A_517 = arith.select %gt3A_514, %broadcast_in_dim3A_516, %select_n3A_510 : vector<16xi1>, vector<16xi32>
    %max3A_518 = arith.maximumf %get3A_513, %max3A_511 : vector<16xf32>
    %get3A_519 = arith.constant 176 : index
    %get3A_520 = tpu.vector_load %arg13[%get3A_519] {strides = array<i32>} : memref<320xf32, #tpu.memory_space<vmem>>, vector<16xf32>,
    %gt3A_521 = arith.cmpf ogt, %get3A_520, %max3A_518 : vector<16xf32>
    %jit3A_522 = arith.constant 11 : i32
    %broadcast_in_dim3A_523 = vector.broadcast %jit3A_522 : i32 to vector<16xi32>
    %select_n3A_524 = arith.select %gt3A_521, %broadcast_in_dim3A_523, %select_n3A_517 : vector<16xi1>, vector<16xi32>
    %max3A_525 = arith.maximumf %get3A_520, %max3A_518 : vector<16xf32>
    %get3A_526 = arith.constant 192 : index
    %get3A_527 = tpu.vector_load %arg13[%get3A_526] {strides = array<i32>} : memref<320xf32, #tpu.memory_space<vmem>>, vector<16xf32>,
    %gt3A_528 = arith.cmpf ogt, %get3A_527, %max3A_525 : vector<16xf32>
    %jit3A_529 = arith.constant 12 : i32
    %broadcast_in_dim3A_530 = vector.broadcast %jit3A_529 : i32 to vector<16xi32>
    %select_n3A_531 = arith.select %gt3A_528, %broadcast_in_dim3A_530, %select_n3A_524 : vector<16xi1>, vector<16xi32>
    %max3A_532 = arith.maximumf %get3A_527, %max3A_525 : vector<16xf32>
    %get3A_533 = arith.constant 208 : index
    %get3A_534 = tpu.vector_load %arg13[%get3A_533] {strides = array<i32>} : memref<320xf32, #tpu.memory_space<vmem>>, vector<16xf32>,
    %gt3A_535 = arith.cmpf ogt, %get3A_534, %max3A_532 : vector<16xf32>
    %jit3A_536 = arith.constant 13 : i32
    %broadcast_in_dim3A_537 = vector.broadcast %jit3A_536 : i32 to vector<16xi32>
    %select_n3A_538 = arith.select %gt3A_535, %broadcast_in_dim3A_537, %select_n3A_531 : vector<16xi1>, vector<16xi32>
    %max3A_539 = arith.maximumf %get3A_534, %max3A_532 : vector<16xf32>
    %get3A_540 = arith.constant 224 : index
    %get3A_541 = tpu.vector_load %arg13[%get3A_540] {strides = array<i32>} : memref<320xf32, #tpu.memory_space<vmem>>, vector<16xf32>,
    %gt3A_542 = arith.cmpf ogt, %get3A_541, %max3A_539 : vector<16xf32>
    %jit3A_543 = arith.constant 14 : i32
    %broadcast_in_dim3A_544 = vector.broadcast %jit3A_543 : i32 to vector<16xi32>
    %select_n3A_545 = arith.select %gt3A_542, %broadcast_in_dim3A_544, %select_n3A_538 : vector<16xi1>, vector<16xi32>
    %max3A_546 = arith.maximumf %get3A_541, %max3A_539 : vector<16xf32>
    %get3A_547 = arith.constant 240 : index
    %get3A_548 = tpu.vector_load %arg13[%get3A_547] {strides = array<i32>} : memref<320xf32, #tpu.memory_space<vmem>>, vector<16xf32>,
    %gt3A_549 = arith.cmpf ogt, %get3A_548, %max3A_546 : vector<16xf32>
    %jit3A_550 = arith.constant 15 : i32
    %broadcast_in_dim3A_551 = vector.broadcast %jit3A_550 : i32 to vector<16xi32>
    %select_n3A_552 = arith.select %gt3A_549, %broadcast_in_dim3A_551, %select_n3A_545 : vector<16xi1>, vector<16xi32>
    %max3A_553 = arith.maximumf %get3A_548, %max3A_546 : vector<16xf32>
    %get3A_554 = arith.constant 256 : index
    %get3A_555 = tpu.vector_load %arg13[%get3A_554] {strides = array<i32>} : memref<320xf32, #tpu.memory_space<vmem>>, vector<16xf32>,
    %gt3A_556 = arith.cmpf ogt, %get3A_555, %max3A_553 : vector<16xf32>
    %jit3A_557 = arith.constant 16 : i32
    %broadcast_in_dim3A_558 = vector.broadcast %jit3A_557 : i32 to vector<16xi32>
    %select_n3A_559 = arith.select %gt3A_556, %broadcast_in_dim3A_558, %select_n3A_552 : vector<16xi1>, vector<16xi32>
    %max3A_560 = arith.maximumf %get3A_555, %max3A_553 : vector<16xf32>
    %get3A_561 = arith.constant 272 : index
    %get3A_562 = tpu.vector_load %arg13[%get3A_561] {strides = array<i32>} : memref<320xf32, #tpu.memory_space<vmem>>, vector<16xf32>,
    %gt3A_563 = arith.cmpf ogt, %get3A_562, %max3A_560 : vector<16xf32>
    %jit3A_564 = arith.constant 17 : i32
    %broadcast_in_dim3A_565 = vector.broadcast %jit3A_564 : i32 to vector<16xi32>
    %select_n3A_566 = arith.select %gt3A_563, %broadcast_in_dim3A_565, %select_n3A_559 : vector<16xi1>, vector<16xi32>
    %max3A_567 = arith.maximumf %get3A_562, %max3A_560 : vector<16xf32>
    %get3A_568 = arith.constant 288 : index
    %get3A_569 = tpu.vector_load %arg13[%get3A_568] {strides = array<i32>} : memref<320xf32, #tpu.memory_space<vmem>>, vector<16xf32>,
    %gt3A_570 = arith.cmpf ogt, %get3A_569, %max3A_567 : vector<16xf32>
    %jit3A_571 = arith.constant 18 : i32
    %broadcast_in_dim3A_572 = vector.broadcast %jit3A_571 : i32 to vector<16xi32>
    %select_n3A_573 = arith.select %gt3A_570, %broadcast_in_dim3A_572, %select_n3A_566 : vector<16xi1>, vector<16xi32>
    %max3A_574 = arith.maximumf %get3A_569, %max3A_567 : vector<16xf32>
    %get3A_575 = arith.constant 304 : index
    %get3A_576 = tpu.vector_load %arg13[%get3A_575] {strides = array<i32>} : memref<320xf32, #tpu.memory_space<vmem>>, vector<16xf32>,
    %gt3A_577 = arith.cmpf ogt, %get3A_576, %max3A_574 : vector<16xf32>
    %jit3A_578 = arith.constant 19 : i32
    %broadcast_in_dim3A_579 = vector.broadcast %jit3A_578 : i32 to vector<16xi32>
    %select_n3A_580 = arith.select %gt3A_577, %broadcast_in_dim3A_579, %select_n3A_573 : vector<16xi1>, vector<16xi32>
    %max3A_581 = arith.maximumf %get3A_576, %max3A_574 : vector<16xf32>
    %mul3A_582 = arith.constant 16 : i32
    %mul3A_583 = vector.broadcast %mul3A_582 : i32 to vector<16xi32>
    %mul3A_584 = arith.muli %select_n3A_580, %mul3A_583 : vector<16xi32>
    %add3A_585 = arith.addi %mul3A_584, %iota3A : vector<16xi32>
    %add3A_586 = vector.broadcast %mul3A_0 : i32 to vector<16xi32>
    %add3A_587 = arith.addi %add3A_585, %add3A_586 : vector<16xi32>
    %masked_sort3A = arith.constant dense<true> : vector<16xi1>
    %masked_sort3A_588, %masked_sort3A_589, %masked_sort3A_590 = tpu.sort %max3A_581, %add3A_587 masked %masked_sort3A {descending = true} : (vector<16xf32>, vector<16xi32>, vector<16xi1>) -> (vector<16xi1>, vector<16xf32>, vector<16xi32>)
    %broadcast_in_dim3A_591 = arith.constant 0 : i32
    %broadcast_in_dim3A_592 = vector.broadcast %broadcast_in_dim3A_591 : i32 to vector<16xi32>
    %broadcast_in_dim3A_593 = arith.constant 16 : i32
    %broadcast_in_dim3A_594 = vector.broadcast %broadcast_in_dim3A_593 : i32 to vector<16xi32>
    %scan3A_595 = arith.constant 0 : i32
    %scan3A_596 = arith.constant 300 : i32
    %scan3A_597 = arith.addi %scan3A_595, %scan3A_596 : i32
    %scan3A_598 = arith.constant 1 : i32
    %scan3A_599:2 = scf.for %scan3A_604 = %scan3A_595 to %scan3A_597 step %scan3A_598 iter_args(%scan3A_605 = %masked_sort3A_589, %scan3A_606 = %masked_sort3A_590) -> (vector<16xf32>, vector<16xi32>)  : i32 {
      %jit3A_607 = arith.constant 2 : i32
      %eq3A_608 = arith.constant 0 : i32
      %eq3A_609 = arith.cmpi eq, %jit3A_607, %eq3A_608 : i32
      %jit3A_610 = arith.constant 1 : i32
      %select_n3A_611 = arith.select %eq3A_609, %jit3A_610, %jit3A_607 : i32
      %rem3A = arith.remsi %scan3A_604, %select_n3A_611 : i32
      %ne3A = arith.constant 0 : i32
      %ne3A_612 = arith.cmpi ne, %rem3A, %ne3A : i32
      %lt3A = arith.constant 0 : i32
      %lt3A_613 = arith.cmpi slt, %rem3A, %lt3A : i32
      %lt3A_614 = arith.constant 0 : i32
      %lt3A_615 = arith.cmpi slt, %select_n3A_611, %lt3A_614 : i32
      %ne3A_616 = arith.xori %lt3A_613, %lt3A_615 : i1
      %and3A_617 = arith.andi %ne3A_616, %ne3A_612 : i1
      %add3A_618 = arith.addi %rem3A, %select_n3A_611 : i32
      %select_n3A_619 = arith.select %and3A_617, %add3A_618, %rem3A : i32
      %mul3A_620 = arith.constant 128 : i32
      %mul3A_621 = arith.muli %select_n3A_619, %mul3A_620 : i32
      %add3A_622 = arith.constant 1 : i32
      %add3A_623 = arith.addi %scan3A_604, %add3A_622 : i32
      %convert_element_type3A_624 = arith.sitofp %add3A_623 : i32 to f32
      %swap3A_625 = arith.constant 0 : index
      %swap3A_626 = tpu.vector_load %arg14[%swap3A_625] {strides = array<i32>} : memref<32xf32, #tpu.memory_space<vmem>>, vector<16xf32>,
      tpu.vector_store %arg14[%swap3A_625], %scan3A_605 {strides = array<i32>} : memref<32xf32, #tpu.memory_space<vmem>>, vector<16xf32>,
      %bitcast3A = vector.bitcast %scan3A_606 : vector<16xi32> to vector<16xf32>
      %swap3A_627 = arith.constant 16 : index
      %swap3A_628 = tpu.vector_load %arg14[%swap3A_627] {strides = array<i32>} : memref<32xf32, #tpu.memory_space<vmem>>, vector<16xf32>,
      tpu.vector_store %arg14[%swap3A_627], %bitcast3A {strides = array<i32>} : memref<32xf32, #tpu.memory_space<vmem>>, vector<16xf32>,
      %eq3A_629 = arith.constant 2 : i32
      %eq3A_630 = vector.broadcast %eq3A_629 : i32 to vector<16xi32>
      %eq3A_631 = arith.cmpi eq, %iota3A, %eq3A_630 : vector<16xi32>
      %select_n3A_632 = arith.select %eq3A_631, %broadcast_in_dim3A_594, %broadcast_in_dim3A_592 : vector<16xi1>, vector<16xi32>
      %gather3A = tpu.vector_load_idx %arg14[%select_n3A_632] : memref<32xf32, #tpu.memory_space<vmem>>[vector<16xi32>], vector<16xf32>,
      %eq3A_633 = arith.constant 0 : i32
      %eq3A_634 = vector.broadcast %eq3A_633 : i32 to vector<16xi32>
      %eq3A_635 = arith.cmpi eq, %iota3A, %eq3A_634 : vector<16xi32>
      %eq3A_636 = arith.constant 3 : i32
      %eq3A_637 = vector.broadcast %eq3A_636 : i32 to vector<16xi32>
      %eq3A_638 = arith.cmpi eq, %iota3A, %eq3A_637 : vector<16xi32>
      %or3A = arith.ori %eq3A_635, %eq3A_638 : vector<16xi1>
      %broadcast_in_dim3A_639 = vector.broadcast %convert_element_type3A_624 : f32 to vector<16xf32>
      %select_n3A_640 = arith.select %or3A, %broadcast_in_dim3A_639, %gather3A : vector<16xi1>, vector<16xf32>
      %swap3A_641 = arith.constant 0 : index
      %swap3A_642 = tpu.vector_load %arg14[%swap3A_641] {strides = array<i32>} : memref<32xf32, #tpu.memory_space<vmem>>, vector<16xf32>,
      tpu.vector_store %arg14[%swap3A_641], %select_n3A_640 {strides = array<i32>} : memref<32xf32, #tpu.memory_space<vmem>>, vector<16xf32>,
      %mul3A_643 = arith.constant 8 : i32
      %mul3A_644 = arith.muli %arg1, %mul3A_643 : i32
      %add3A_645 = arith.addi %mul3A_621, %mul3A_644 : i32
      "tpu.region"() ({
        %run_scoped3A = tpu.sem_alloc : memref<!tpu.dma_semaphore, #tpu.memory_space<semaphore_mem>>
        %dma_start3A = arith.constant 0 : i32
        %dma_start3A_706 = tpu.memref_slice %arg14[%dma_start3A] : memref<32xf32, #tpu.memory_space<vmem>> -> memref<8xf32, #tpu.memory_space<vmem>>
        %dma_start3A_707 = tpu.memref_slice %arg15[%add3A_645] : memref<256xf32, #tpu.memory_space<vmem_shared>> -> memref<8xf32, #tpu.memory_space<vmem_shared>>
        %dma_start3A_708 = tpu.memref_slice %arg15[%add3A_645] : memref<256xf32, #tpu.memory_space<vmem_shared>> -> memref<8xf32, #tpu.memory_space<vmem_shared>>
        %dma_start3A_709 = arith.constant 0 : i32
        %dma_start3A_710 = tpu.memref_slice %arg14[%dma_start3A_709] : memref<32xf32, #tpu.memory_space<vmem>> -> memref<8xf32, #tpu.memory_space<vmem>>
        tpu.enqueue_dma source(%dma_start3A_710 : memref<8xf32, #tpu.memory_space<vmem>>) target(%dma_start3A_708 : memref<8xf32, #tpu.memory_space<vmem_shared>>) target_semaphore(%run_scoped3A : memref<!tpu.dma_semaphore, #tpu.memory_space<semaphore_mem>>)
        %dma_wait3A = arith.constant 0 : i32
        %dma_wait3A_711 = tpu.memref_slice %arg14[%dma_wait3A] : memref<32xf32, #tpu.memory_space<vmem>> -> memref<8xf32, #tpu.memory_space<vmem>>
        %dma_wait3A_712 = tpu.memref_slice %arg15[%add3A_645] : memref<256xf32, #tpu.memory_space<vmem_shared>> -> memref<8xf32, #tpu.memory_space<vmem_shared>>
        %dma_wait3A_713 = tpu.memref_slice %arg15[%add3A_645] : memref<256xf32, #tpu.memory_space<vmem_shared>> -> memref<8xf32, #tpu.memory_space<vmem_shared>>
        %dma_wait3A_714 = arith.constant 0 : i32
        %dma_wait3A_715 = tpu.memref_slice %arg14[%dma_wait3A_714] : memref<32xf32, #tpu.memory_space<vmem>> -> memref<8xf32, #tpu.memory_space<vmem>>
        tpu.wait_dma2 semaphore(%run_scoped3A : memref<!tpu.dma_semaphore, #tpu.memory_space<semaphore_mem>>) src(%dma_wait3A_715 : memref<8xf32, #tpu.memory_space<vmem>>) dst(%dma_wait3A_713 : memref<8xf32, #tpu.memory_space<vmem_shared>>)
        tpu.yield
      }) : () -> ()
      %while3A = arith.constant 0 : i32
      %while3A_646 = arith.constant 0 : i32
      %while3A_647:2 = scf.while (%while3A_706 = %while3A, %while3A_707 = %while3A_646) : (i32, i32) -> (i32, i32) {
        %eq3A_708 = arith.constant 0 : i32
        %eq3A_709 = arith.cmpi eq, %while3A_707, %eq3A_708 : i32
        %lt3A_710 = arith.constant 10000 : i32
        %lt3A_711 = arith.cmpi slt, %while3A_706, %lt3A_710 : i32
        %and3A_712 = arith.andi %eq3A_709, %lt3A_711 : i1
        scf.condition(%and3A_712) %while3A_706, %while3A_707 : i32, i32
      } do {
      ^bb0(%while3A_706: i32, %while3A_707: i32):
        "tpu.region"() ({
          %run_scoped3A = tpu.sem_alloc : memref<!tpu.dma_semaphore, #tpu.memory_space<semaphore_mem>>
          %dma_start3A = tpu.memref_slice %arg15[%mul3A_621] : memref<256xf32, #tpu.memory_space<vmem_shared>> -> memref<128xf32, #tpu.memory_space<vmem_shared>>
          %dma_start3A_738 = tpu.memref_slice %arg15[%mul3A_621] : memref<256xf32, #tpu.memory_space<vmem_shared>> -> memref<128xf32, #tpu.memory_space<vmem_shared>>
          tpu.enqueue_dma source(%dma_start3A_738 : memref<128xf32, #tpu.memory_space<vmem_shared>>) target(%arg16 : memref<128xf32, #tpu.memory_space<vmem>>) target_semaphore(%run_scoped3A : memref<!tpu.dma_semaphore, #tpu.memory_space<semaphore_mem>>)
          %dma_wait3A = tpu.memref_slice %arg15[%mul3A_621] : memref<256xf32, #tpu.memory_space<vmem_shared>> -> memref<128xf32, #tpu.memory_space<vmem_shared>>
          %dma_wait3A_739 = tpu.memref_slice %arg15[%mul3A_621] : memref<256xf32, #tpu.memory_space<vmem_shared>> -> memref<128xf32, #tpu.memory_space<vmem_shared>>
          tpu.wait_dma2 semaphore(%run_scoped3A : memref<!tpu.dma_semaphore, #tpu.memory_space<semaphore_mem>>) src(%dma_wait3A_739 : memref<128xf32, #tpu.memory_space<vmem_shared>>) dst(%arg16 : memref<128xf32, #tpu.memory_space<vmem>>)
          tpu.yield
        }) : () -> ()
        %mul3A_708 = arith.constant 8 : i32
        %mul3A_709 = vector.broadcast %mul3A_708 : i32 to vector<16xi32>
        %mul3A_710 = arith.muli %iota3A, %mul3A_709 : vector<16xi32>
        %gather3A_711 = tpu.vector_load_idx %arg16[%mul3A_710] : memref<128xf32, #tpu.memory_space<vmem>>[vector<16xi32>], vector<16xf32>,
        %mul3A_712 = arith.constant 8 : i32
        %mul3A_713 = vector.broadcast %mul3A_712 : i32 to vector<16xi32>
        %mul3A_714 = arith.muli %iota3A, %mul3A_713 : vector<16xi32>
        %add3A_715 = arith.constant 3 : i32
        %add3A_716 = vector.broadcast %add3A_715 : i32 to vector<16xi32>
        %add3A_717 = arith.addi %mul3A_714, %add3A_716 : vector<16xi32>
        %gather3A_718 = tpu.vector_load_idx %arg16[%add3A_717] : memref<128xf32, #tpu.memory_space<vmem>>[vector<16xi32>], vector<16xf32>,
        %eq3A_719 = vector.broadcast %convert_element_type3A_624 : f32 to vector<16xf32>
        %eq3A_720 = arith.cmpf oeq, %gather3A_711, %eq3A_719 : vector<16xf32>
        %eq3A_721 = vector.broadcast %convert_element_type3A_624 : f32 to vector<16xf32>
        %eq3A_722 = arith.cmpf oeq, %gather3A_718, %eq3A_721 : vector<16xf32>
        %and3A_723 = arith.andi %eq3A_720, %eq3A_722 : vector<16xi1>
        %jit3A_724 = arith.constant 1 : i32
        %jit3A_725 = arith.constant 0 : i32
        %broadcast_in_dim3A_726 = vector.broadcast %jit3A_724 : i32 to vector<16xi32>
        %broadcast_in_dim3A_727 = vector.broadcast %jit3A_725 : i32 to vector<16xi32>
        %select_n3A_728 = arith.select %and3A_723, %broadcast_in_dim3A_726, %broadcast_in_dim3A_727 : vector<16xi1>, vector<16xi32>
        %reduce_min3A = arith.constant true
        %reduce_min3A_729 = vector.broadcast %reduce_min3A : i1 to vector<16xi1>
        %reduce_min3A_730 = arith.constant -2147483648 : i32
        %reduce_min3A_731 = vector.broadcast %reduce_min3A_730 : i32 to vector<16xi32>
        %reduce_min3A_732 = arith.xori %select_n3A_728, %reduce_min3A_731 : vector<16xi32>
        %reduce_min3A_733 = tpu.scan <min>, %reduce_min3A_732 masked %reduce_min3A_729 : vector<16xi32>, vector<16xi1> -> vector<16xi32>
        %reduce_min3A_734 = arith.xori %reduce_min3A_733, %reduce_min3A_731 : vector<16xi32>
        %reduce_min3A_735 = vector.extract %reduce_min3A_734[15] : i32 from vector<16xi32>
        %add3A_736 = arith.constant 1 : i32
        %add3A_737 = arith.addi %while3A_706, %add3A_736 : i32
        scf.yield %add3A_737, %reduce_min3A_735 : i32, i32
      }
      %mul3A_648 = arith.constant 8 : i32
      %mul3A_649 = vector.broadcast %mul3A_648 : i32 to vector<16xi32>
      %mul3A_650 = arith.muli %iota3A, %mul3A_649 : vector<16xi32>
      %add3A_651 = arith.constant 1 : i32
      %add3A_652 = vector.broadcast %add3A_651 : i32 to vector<16xi32>
      %add3A_653 = arith.addi %mul3A_650, %add3A_652 : vector<16xi32>
      %gather3A_654 = tpu.vector_load_idx %arg16[%add3A_653] : memref<128xf32, #tpu.memory_space<vmem>>[vector<16xi32>], vector<16xf32>,
      %mul3A_655 = arith.constant 8 : i32
      %mul3A_656 = vector.broadcast %mul3A_655 : i32 to vector<16xi32>
      %mul3A_657 = arith.muli %iota3A, %mul3A_656 : vector<16xi32>
      %add3A_658 = arith.constant 2 : i32
      %add3A_659 = vector.broadcast %add3A_658 : i32 to vector<16xi32>
      %add3A_660 = arith.addi %mul3A_657, %add3A_659 : vector<16xi32>
      %gather3A_661 = tpu.vector_load_idx %arg16[%add3A_660] : memref<128xf32, #tpu.memory_space<vmem>>[vector<16xi32>], vector<16xf32>,
      %bitcast3A_662 = vector.bitcast %gather3A_661 : vector<16xf32> to vector<16xi32>
      %masked_sort3A_663 = arith.constant dense<true> : vector<16xi1>
      %masked_sort3A_664, %masked_sort3A_665, %masked_sort3A_666 = tpu.sort %gather3A_654, %bitcast3A_662 masked %masked_sort3A_663 {descending = true} : (vector<16xf32>, vector<16xi32>, vector<16xi1>) -> (vector<16xi1>, vector<16xf32>, vector<16xi32>)
      %swap3A_667 = arith.constant 0 : index
      %swap3A_668 = tpu.vector_load %arg14[%swap3A_667] {strides = array<i32>} : memref<32xf32, #tpu.memory_space<vmem>>, vector<16xf32>,
      tpu.vector_store %arg14[%swap3A_667], %masked_sort3A_665 {strides = array<i32>} : memref<32xf32, #tpu.memory_space<vmem>>, vector<16xf32>,
      %bitcast3A_669 = vector.bitcast %masked_sort3A_666 : vector<16xi32> to vector<16xf32>
      %swap3A_670 = arith.constant 16 : index
      %swap3A_671 = tpu.vector_load %arg14[%swap3A_670] {strides = array<i32>} : memref<32xf32, #tpu.memory_space<vmem>>, vector<16xf32>,
      tpu.vector_store %arg14[%swap3A_670], %bitcast3A_669 {strides = array<i32>} : memref<32xf32, #tpu.memory_space<vmem>>, vector<16xf32>,
      %gather3A_672 = tpu.vector_load_idx %arg14[%broadcast_in_dim3A_594] : memref<32xf32, #tpu.memory_space<vmem>>[vector<16xi32>], vector<16xf32>,
      %bitcast3A_673 = vector.bitcast %gather3A_672 : vector<16xf32> to vector<16xi32>
      %convert_element_type3A_674 = arith.extui %and3A : i1 to i32
      %cond3A_675 = arith.constant 0 : i32
      %cond3A_676 = arith.cmpi ne, %convert_element_type3A_674, %cond3A_675 : i32
      scf.if %cond3A_676 {
        %gather3A_706 = tpu.vector_load_idx %arg14[%broadcast_in_dim3A_592] : memref<32xf32, #tpu.memory_space<vmem>>[vector<16xi32>], vector<16xf32>,
        %broadcast_in_dim3A_707 = vector.broadcast %scan3A_604 : i32 to vector<16xi32>
        tpu.vector_store_idx %arg17[%broadcast_in_dim3A_707], %gather3A_706 masked %eq3A_449 : memref<304xf32, #tpu.memory_space<vmem>>[vector<16xi32>], vector<16xf32>, vector<16xi1>
      } else {
      }
      %ge3A = vector.broadcast %mul3A_0 : i32 to vector<16xi32>
      %ge3A_677 = arith.cmpi sge, %bitcast3A_673, %ge3A : vector<16xi32>
      %and3A_678 = arith.andi %eq3A_449, %ge3A_677 : vector<16xi1>
      %add3A_679 = arith.constant 320 : i32
      %add3A_680 = arith.addi %mul3A_0, %add3A_679 : i32
      %lt3A_681 = vector.broadcast %add3A_680 : i32 to vector<16xi32>
      %lt3A_682 = arith.cmpi slt, %bitcast3A_673, %lt3A_681 : vector<16xi32>
      %and3A_683 = arith.andi %and3A_678, %lt3A_682 : vector<16xi1>
      %sub3A = vector.broadcast %mul3A_0 : i32 to vector<16xi32>
      %sub3A_684 = arith.subi %bitcast3A_673, %sub3A : vector<16xi32>
      %broadcast_in_dim3A_685 = arith.constant -1.000000e+00 : f32
      %broadcast_in_dim3A_686 = vector.broadcast %broadcast_in_dim3A_685 : f32 to vector<16xf32>
      tpu.vector_store_idx %arg13[%sub3A_684], %broadcast_in_dim3A_686 masked %and3A_683 : memref<320xf32, #tpu.memory_space<vmem>>[vector<16xi32>], vector<16xf32>, vector<16xi1>
      %gather3A_687 = tpu.vector_load_idx %arg8[%bitcast3A_673] : memref<5120xf32, #tpu.memory_space<vmem>>[vector<16xi32>], vector<16xf32>,
      %gather3A_688 = tpu.vector_load_idx %arg9[%bitcast3A_673] : memref<5120xf32, #tpu.memory_space<vmem>>[vector<16xi32>], vector<16xf32>,
      %gather3A_689 = tpu.vector_load_idx %arg10[%bitcast3A_673] : memref<5120xf32, #tpu.memory_space<vmem>>[vector<16xi32>], vector<16xf32>,
      %gather3A_690 = tpu.vector_load_idx %arg11[%bitcast3A_673] : memref<5120xf32, #tpu.memory_space<vmem>>[vector<16xi32>], vector<16xf32>,
      %gather3A_691 = tpu.vector_load_idx %arg12[%bitcast3A_673] : memref<5120xf32, #tpu.memory_space<vmem>>[vector<16xi32>], vector<16xf32>,
      %broadcast_in_dim3A_692 = arith.constant -2.000000e+00 : f32
      %broadcast_in_dim3A_693 = vector.broadcast %broadcast_in_dim3A_692 : f32 to vector<16xf32>
      %broadcast_in_dim3A_694 = arith.constant 0 : i32
      %broadcast_in_dim3A_695 = vector.broadcast %broadcast_in_dim3A_694 : i32 to vector<16xi32>
      %parallel_loop3A = arith.constant 0 : i32
      %parallel_loop3A_696 = arith.constant 320 : i32
      %parallel_loop3A_697 = arith.constant 16 : i32
      %parallel_loop3A_698:2 = scf.for %parallel_loop3A_706 = %parallel_loop3A to %parallel_loop3A_696 step %parallel_loop3A_697 iter_args(%parallel_loop3A_707 = %broadcast_in_dim3A_693, %parallel_loop3A_708 = %broadcast_in_dim3A_695) -> (vector<16xf32>, vector<16xi32>)  : i32 {
        %parallel_loop3A_709 = arith.index_cast %parallel_loop3A_706 : i32 to index
        %parallel_loop3A_710 = tpu.vector_load %arg13[%parallel_loop3A_709] {strides = array<i32>} : memref<320xf32, #tpu.memory_space<vmem>>, vector<16xf32>,
        %parallel_loop3A_711 = arith.index_cast %parallel_loop3A_706 : i32 to index
        %parallel_loop3A_712 = tpu.vector_load %arg18[%parallel_loop3A_711] {strides = array<i32>} : memref<320xf32, #tpu.memory_space<vmem>>, vector<16xf32>,
        %parallel_loop3A_713 = arith.index_cast %parallel_loop3A_706 : i32 to index
        %parallel_loop3A_714 = tpu.vector_load %arg19[%parallel_loop3A_713] {strides = array<i32>} : memref<320xf32, #tpu.memory_space<vmem>>, vector<16xf32>,
        %parallel_loop3A_715 = arith.index_cast %parallel_loop3A_706 : i32 to index
        %parallel_loop3A_716 = tpu.vector_load %arg20[%parallel_loop3A_715] {strides = array<i32>} : memref<320xf32, #tpu.memory_space<vmem>>, vector<16xf32>,
        %parallel_loop3A_717 = arith.index_cast %parallel_loop3A_706 : i32 to index
        %parallel_loop3A_718 = tpu.vector_load %arg21[%parallel_loop3A_717] {strides = array<i32>} : memref<320xf32, #tpu.memory_space<vmem>>, vector<16xf32>,
        %parallel_loop3A_719 = arith.index_cast %parallel_loop3A_706 : i32 to index
        %parallel_loop3A_720 = tpu.vector_load %arg22[%parallel_loop3A_719] {strides = array<i32>} : memref<320xf32, #tpu.memory_space<vmem>>, vector<16xf32>,
        %parallel_loop3A_721 = arith.maximumf %parallel_loop3A_712, %gather3A_687 : vector<16xf32>
        %parallel_loop3A_722 = arith.maximumf %parallel_loop3A_714, %gather3A_688 : vector<16xf32>
        %parallel_loop3A_723 = arith.minimumf %parallel_loop3A_716, %gather3A_689 : vector<16xf32>
        %parallel_loop3A_724 = arith.minimumf %parallel_loop3A_718, %gather3A_690 : vector<16xf32>
        %parallel_loop3A_725 = arith.subf %parallel_loop3A_723, %parallel_loop3A_721 : vector<16xf32>
        %parallel_loop3A_726 = arith.constant 0.000000e+00 : f32
        %parallel_loop3A_727 = vector.broadcast %parallel_loop3A_726 : f32 to vector<16xf32>
        %parallel_loop3A_728 = arith.maximumf %parallel_loop3A_725, %parallel_loop3A_727 : vector<16xf32>
        %parallel_loop3A_729 = arith.subf %parallel_loop3A_724, %parallel_loop3A_722 : vector<16xf32>
        %parallel_loop3A_730 = arith.constant 0.000000e+00 : f32
        %parallel_loop3A_731 = vector.broadcast %parallel_loop3A_730 : f32 to vector<16xf32>
        %parallel_loop3A_732 = arith.maximumf %parallel_loop3A_729, %parallel_loop3A_731 : vector<16xf32>
        %parallel_loop3A_733 = arith.mulf %parallel_loop3A_728, %parallel_loop3A_732 : vector<16xf32>
        %parallel_loop3A_734 = arith.addf %parallel_loop3A_720, %gather3A_691 : vector<16xf32>
        %parallel_loop3A_735 = arith.subf %parallel_loop3A_734, %parallel_loop3A_733 : vector<16xf32>
        %parallel_loop3A_736 = arith.constant 9.99999971E-10 : f32
        %parallel_loop3A_737 = vector.broadcast %parallel_loop3A_736 : f32 to vector<16xf32>
        %parallel_loop3A_738 = arith.addf %parallel_loop3A_735, %parallel_loop3A_737 : vector<16xf32>
        %parallel_loop3A_739 = arith.divf %parallel_loop3A_733, %parallel_loop3A_738 : vector<16xf32>
        %parallel_loop3A_740 = arith.mulf %parallel_loop3A_739, %parallel_loop3A_739 : vector<16xf32>
        %parallel_loop3A_741 = arith.constant -2.000000e+00 : f32
        %parallel_loop3A_742 = vector.broadcast %parallel_loop3A_741 : f32 to vector<16xf32>
        %parallel_loop3A_743 = arith.mulf %parallel_loop3A_740, %parallel_loop3A_742 : vector<16xf32>
        %parallel_loop3A_744 = math.exp %parallel_loop3A_743 : vector<16xf32>
        %parallel_loop3A_745 = arith.mulf %parallel_loop3A_710, %parallel_loop3A_744 : vector<16xf32>
        %parallel_loop3A_746 = arith.index_cast %parallel_loop3A_706 : i32 to index
        %parallel_loop3A_747 = tpu.vector_load %arg13[%parallel_loop3A_746] {strides = array<i32>} : memref<320xf32, #tpu.memory_space<vmem>>, vector<16xf32>,
        tpu.vector_store %arg13[%parallel_loop3A_746], %parallel_loop3A_745 {strides = array<i32>} : memref<320xf32, #tpu.memory_space<vmem>>, vector<16xf32>,
        %parallel_loop3A_748 = arith.cmpf ogt, %parallel_loop3A_745, %parallel_loop3A_707 : vector<16xf32>
        %parallel_loop3A_749 = vector.broadcast %parallel_loop3A_706 : i32 to vector<16xi32>
        %parallel_loop3A_750 = arith.select %parallel_loop3A_748, %parallel_loop3A_749, %parallel_loop3A_708 : vector<16xi1>, vector<16xi32>
        %parallel_loop3A_751 = arith.maximumf %parallel_loop3A_745, %parallel_loop3A_707 : vector<16xf32>
        scf.yield %parallel_loop3A_751, %parallel_loop3A_750 : vector<16xf32>, vector<16xi32>
      } {sc.loop_unroll_factor = 4 : i64, sc.parallel_access}
      %add3A_699 = arith.addi %parallel_loop3A_698#1, %iota3A : vector<16xi32>
      %add3A_700 = vector.broadcast %mul3A_0 : i32 to vector<16xi32>
      %add3A_701 = arith.addi %add3A_699, %add3A_700 : vector<16xi32>
      %masked_sort3A_702 = arith.constant dense<true> : vector<16xi1>
      %masked_sort3A_703, %masked_sort3A_704, %masked_sort3A_705 = tpu.sort %parallel_loop3A_698#0, %add3A_701 masked %masked_sort3A_702 {descending = true} : (vector<16xf32>, vector<16xi32>, vector<16xi1>) -> (vector<16xi1>, vector<16xf32>, vector<16xi32>)
      scf.yield %masked_sort3A_704, %masked_sort3A_705 : vector<16xf32>, vector<16xi32>
    }
    %scan3A_600 = arith.constant 300 : i32
    %convert_element_type3A_601 = arith.extui %and3A : i1 to i32
    %cond3A_602 = arith.constant 0 : i32
    %cond3A_603 = arith.cmpi ne, %convert_element_type3A_601, %cond3A_602 : i32
    scf.if %cond3A_603 {
      %get3A_604 = arith.constant 0 : index
      %get3A_605 = tpu.vector_load %arg17[%get3A_604] {strides = array<i32>} : memref<304xf32, #tpu.memory_space<vmem>>, vector<16xf32>,
      %lt3A = arith.constant 1.000000e-03 : f32
      %lt3A_606 = vector.broadcast %lt3A : f32 to vector<16xf32>
      %lt3A_607 = arith.cmpf olt, %get3A_605, %lt3A_606 : vector<16xf32>
      %jit3A_608 = arith.constant 0.000000e+00 : f32
      %broadcast_in_dim3A_609 = vector.broadcast %jit3A_608 : f32 to vector<16xf32>
      %select_n3A_610 = arith.select %lt3A_607, %broadcast_in_dim3A_609, %get3A_605 : vector<16xi1>, vector<16xf32>
      %swap3A_611 = arith.constant 0 : index
      %swap3A_612 = tpu.vector_load %arg17[%swap3A_611] {strides = array<i32>} : memref<304xf32, #tpu.memory_space<vmem>>, vector<16xf32>,
      tpu.vector_store %arg17[%swap3A_611], %select_n3A_610 {strides = array<i32>} : memref<304xf32, #tpu.memory_space<vmem>>, vector<16xf32>,
      %get3A_613 = arith.constant 16 : index
      %get3A_614 = tpu.vector_load %arg17[%get3A_613] {strides = array<i32>} : memref<304xf32, #tpu.memory_space<vmem>>, vector<16xf32>,
      %lt3A_615 = arith.constant 1.000000e-03 : f32
      %lt3A_616 = vector.broadcast %lt3A_615 : f32 to vector<16xf32>
      %lt3A_617 = arith.cmpf olt, %get3A_614, %lt3A_616 : vector<16xf32>
      %jit3A_618 = arith.constant 0.000000e+00 : f32
      %broadcast_in_dim3A_619 = vector.broadcast %jit3A_618 : f32 to vector<16xf32>
      %select_n3A_620 = arith.select %lt3A_617, %broadcast_in_dim3A_619, %get3A_614 : vector<16xi1>, vector<16xf32>
      %swap3A_621 = arith.constant 16 : index
      %swap3A_622 = tpu.vector_load %arg17[%swap3A_621] {strides = array<i32>} : memref<304xf32, #tpu.memory_space<vmem>>, vector<16xf32>,
      tpu.vector_store %arg17[%swap3A_621], %select_n3A_620 {strides = array<i32>} : memref<304xf32, #tpu.memory_space<vmem>>, vector<16xf32>,
      %get3A_623 = arith.constant 32 : index
      %get3A_624 = tpu.vector_load %arg17[%get3A_623] {strides = array<i32>} : memref<304xf32, #tpu.memory_space<vmem>>, vector<16xf32>,
      %lt3A_625 = arith.constant 1.000000e-03 : f32
      %lt3A_626 = vector.broadcast %lt3A_625 : f32 to vector<16xf32>
      %lt3A_627 = arith.cmpf olt, %get3A_624, %lt3A_626 : vector<16xf32>
      %jit3A_628 = arith.constant 0.000000e+00 : f32
      %broadcast_in_dim3A_629 = vector.broadcast %jit3A_628 : f32 to vector<16xf32>
      %select_n3A_630 = arith.select %lt3A_627, %broadcast_in_dim3A_629, %get3A_624 : vector<16xi1>, vector<16xf32>
      %swap3A_631 = arith.constant 32 : index
      %swap3A_632 = tpu.vector_load %arg17[%swap3A_631] {strides = array<i32>} : memref<304xf32, #tpu.memory_space<vmem>>, vector<16xf32>,
      tpu.vector_store %arg17[%swap3A_631], %select_n3A_630 {strides = array<i32>} : memref<304xf32, #tpu.memory_space<vmem>>, vector<16xf32>,
      %get3A_633 = arith.constant 48 : index
      %get3A_634 = tpu.vector_load %arg17[%get3A_633] {strides = array<i32>} : memref<304xf32, #tpu.memory_space<vmem>>, vector<16xf32>,
      %lt3A_635 = arith.constant 1.000000e-03 : f32
      %lt3A_636 = vector.broadcast %lt3A_635 : f32 to vector<16xf32>
      %lt3A_637 = arith.cmpf olt, %get3A_634, %lt3A_636 : vector<16xf32>
      %jit3A_638 = arith.constant 0.000000e+00 : f32
      %broadcast_in_dim3A_639 = vector.broadcast %jit3A_638 : f32 to vector<16xf32>
      %select_n3A_640 = arith.select %lt3A_637, %broadcast_in_dim3A_639, %get3A_634 : vector<16xi1>, vector<16xf32>
      %swap3A_641 = arith.constant 48 : index
      %swap3A_642 = tpu.vector_load %arg17[%swap3A_641] {strides = array<i32>} : memref<304xf32, #tpu.memory_space<vmem>>, vector<16xf32>,
      tpu.vector_store %arg17[%swap3A_641], %select_n3A_640 {strides = array<i32>} : memref<304xf32, #tpu.memory_space<vmem>>, vector<16xf32>,
      %get3A_643 = arith.constant 64 : index
      %get3A_644 = tpu.vector_load %arg17[%get3A_643] {strides = array<i32>} : memref<304xf32, #tpu.memory_space<vmem>>, vector<16xf32>,
      %lt3A_645 = arith.constant 1.000000e-03 : f32
      %lt3A_646 = vector.broadcast %lt3A_645 : f32 to vector<16xf32>
      %lt3A_647 = arith.cmpf olt, %get3A_644, %lt3A_646 : vector<16xf32>
      %jit3A_648 = arith.constant 0.000000e+00 : f32
      %broadcast_in_dim3A_649 = vector.broadcast %jit3A_648 : f32 to vector<16xf32>
      %select_n3A_650 = arith.select %lt3A_647, %broadcast_in_dim3A_649, %get3A_644 : vector<16xi1>, vector<16xf32>
      %swap3A_651 = arith.constant 64 : index
      %swap3A_652 = tpu.vector_load %arg17[%swap3A_651] {strides = array<i32>} : memref<304xf32, #tpu.memory_space<vmem>>, vector<16xf32>,
      tpu.vector_store %arg17[%swap3A_651], %select_n3A_650 {strides = array<i32>} : memref<304xf32, #tpu.memory_space<vmem>>, vector<16xf32>,
      %get3A_653 = arith.constant 80 : index
      %get3A_654 = tpu.vector_load %arg17[%get3A_653] {strides = array<i32>} : memref<304xf32, #tpu.memory_space<vmem>>, vector<16xf32>,
      %lt3A_655 = arith.constant 1.000000e-03 : f32
      %lt3A_656 = vector.broadcast %lt3A_655 : f32 to vector<16xf32>
      %lt3A_657 = arith.cmpf olt, %get3A_654, %lt3A_656 : vector<16xf32>
      %jit3A_658 = arith.constant 0.000000e+00 : f32
      %broadcast_in_dim3A_659 = vector.broadcast %jit3A_658 : f32 to vector<16xf32>
      %select_n3A_660 = arith.select %lt3A_657, %broadcast_in_dim3A_659, %get3A_654 : vector<16xi1>, vector<16xf32>
      %swap3A_661 = arith.constant 80 : index
      %swap3A_662 = tpu.vector_load %arg17[%swap3A_661] {strides = array<i32>} : memref<304xf32, #tpu.memory_space<vmem>>, vector<16xf32>,
      tpu.vector_store %arg17[%swap3A_661], %select_n3A_660 {strides = array<i32>} : memref<304xf32, #tpu.memory_space<vmem>>, vector<16xf32>,
      %get3A_663 = arith.constant 96 : index
      %get3A_664 = tpu.vector_load %arg17[%get3A_663] {strides = array<i32>} : memref<304xf32, #tpu.memory_space<vmem>>, vector<16xf32>,
      %lt3A_665 = arith.constant 1.000000e-03 : f32
      %lt3A_666 = vector.broadcast %lt3A_665 : f32 to vector<16xf32>
      %lt3A_667 = arith.cmpf olt, %get3A_664, %lt3A_666 : vector<16xf32>
      %jit3A_668 = arith.constant 0.000000e+00 : f32
      %broadcast_in_dim3A_669 = vector.broadcast %jit3A_668 : f32 to vector<16xf32>
      %select_n3A_670 = arith.select %lt3A_667, %broadcast_in_dim3A_669, %get3A_664 : vector<16xi1>, vector<16xf32>
      %swap3A_671 = arith.constant 96 : index
      %swap3A_672 = tpu.vector_load %arg17[%swap3A_671] {strides = array<i32>} : memref<304xf32, #tpu.memory_space<vmem>>, vector<16xf32>,
      tpu.vector_store %arg17[%swap3A_671], %select_n3A_670 {strides = array<i32>} : memref<304xf32, #tpu.memory_space<vmem>>, vector<16xf32>,
      %get3A_673 = arith.constant 112 : index
      %get3A_674 = tpu.vector_load %arg17[%get3A_673] {strides = array<i32>} : memref<304xf32, #tpu.memory_space<vmem>>, vector<16xf32>,
      %lt3A_675 = arith.constant 1.000000e-03 : f32
      %lt3A_676 = vector.broadcast %lt3A_675 : f32 to vector<16xf32>
      %lt3A_677 = arith.cmpf olt, %get3A_674, %lt3A_676 : vector<16xf32>
      %jit3A_678 = arith.constant 0.000000e+00 : f32
      %broadcast_in_dim3A_679 = vector.broadcast %jit3A_678 : f32 to vector<16xf32>
      %select_n3A_680 = arith.select %lt3A_677, %broadcast_in_dim3A_679, %get3A_674 : vector<16xi1>, vector<16xf32>
      %swap3A_681 = arith.constant 112 : index
      %swap3A_682 = tpu.vector_load %arg17[%swap3A_681] {strides = array<i32>} : memref<304xf32, #tpu.memory_space<vmem>>, vector<16xf32>,
      tpu.vector_store %arg17[%swap3A_681], %select_n3A_680 {strides = array<i32>} : memref<304xf32, #tpu.memory_space<vmem>>, vector<16xf32>,
      %get3A_683 = arith.constant 128 : index
      %get3A_684 = tpu.vector_load %arg17[%get3A_683] {strides = array<i32>} : memref<304xf32, #tpu.memory_space<vmem>>, vector<16xf32>,
      %lt3A_685 = arith.constant 1.000000e-03 : f32
      %lt3A_686 = vector.broadcast %lt3A_685 : f32 to vector<16xf32>
      %lt3A_687 = arith.cmpf olt, %get3A_684, %lt3A_686 : vector<16xf32>
      %jit3A_688 = arith.constant 0.000000e+00 : f32
      %broadcast_in_dim3A_689 = vector.broadcast %jit3A_688 : f32 to vector<16xf32>
      %select_n3A_690 = arith.select %lt3A_687, %broadcast_in_dim3A_689, %get3A_684 : vector<16xi1>, vector<16xf32>
      %swap3A_691 = arith.constant 128 : index
      %swap3A_692 = tpu.vector_load %arg17[%swap3A_691] {strides = array<i32>} : memref<304xf32, #tpu.memory_space<vmem>>, vector<16xf32>,
      tpu.vector_store %arg17[%swap3A_691], %select_n3A_690 {strides = array<i32>} : memref<304xf32, #tpu.memory_space<vmem>>, vector<16xf32>,
      %get3A_693 = arith.constant 144 : index
      %get3A_694 = tpu.vector_load %arg17[%get3A_693] {strides = array<i32>} : memref<304xf32, #tpu.memory_space<vmem>>, vector<16xf32>,
      %lt3A_695 = arith.constant 1.000000e-03 : f32
      %lt3A_696 = vector.broadcast %lt3A_695 : f32 to vector<16xf32>
      %lt3A_697 = arith.cmpf olt, %get3A_694, %lt3A_696 : vector<16xf32>
      %jit3A_698 = arith.constant 0.000000e+00 : f32
      %broadcast_in_dim3A_699 = vector.broadcast %jit3A_698 : f32 to vector<16xf32>
      %select_n3A_700 = arith.select %lt3A_697, %broadcast_in_dim3A_699, %get3A_694 : vector<16xi1>, vector<16xf32>
      %swap3A_701 = arith.constant 144 : index
      %swap3A_702 = tpu.vector_load %arg17[%swap3A_701] {strides = array<i32>} : memref<304xf32, #tpu.memory_space<vmem>>, vector<16xf32>,
      tpu.vector_store %arg17[%swap3A_701], %select_n3A_700 {strides = array<i32>} : memref<304xf32, #tpu.memory_space<vmem>>, vector<16xf32>,
      %get3A_703 = arith.constant 160 : index
      %get3A_704 = tpu.vector_load %arg17[%get3A_703] {strides = array<i32>} : memref<304xf32, #tpu.memory_space<vmem>>, vector<16xf32>,
      %lt3A_705 = arith.constant 1.000000e-03 : f32
      %lt3A_706 = vector.broadcast %lt3A_705 : f32 to vector<16xf32>
      %lt3A_707 = arith.cmpf olt, %get3A_704, %lt3A_706 : vector<16xf32>
      %jit3A_708 = arith.constant 0.000000e+00 : f32
      %broadcast_in_dim3A_709 = vector.broadcast %jit3A_708 : f32 to vector<16xf32>
      %select_n3A_710 = arith.select %lt3A_707, %broadcast_in_dim3A_709, %get3A_704 : vector<16xi1>, vector<16xf32>
      %swap3A_711 = arith.constant 160 : index
      %swap3A_712 = tpu.vector_load %arg17[%swap3A_711] {strides = array<i32>} : memref<304xf32, #tpu.memory_space<vmem>>, vector<16xf32>,
      tpu.vector_store %arg17[%swap3A_711], %select_n3A_710 {strides = array<i32>} : memref<304xf32, #tpu.memory_space<vmem>>, vector<16xf32>,
      %get3A_713 = arith.constant 176 : index
      %get3A_714 = tpu.vector_load %arg17[%get3A_713] {strides = array<i32>} : memref<304xf32, #tpu.memory_space<vmem>>, vector<16xf32>,
      %lt3A_715 = arith.constant 1.000000e-03 : f32
      %lt3A_716 = vector.broadcast %lt3A_715 : f32 to vector<16xf32>
      %lt3A_717 = arith.cmpf olt, %get3A_714, %lt3A_716 : vector<16xf32>
      %jit3A_718 = arith.constant 0.000000e+00 : f32
      %broadcast_in_dim3A_719 = vector.broadcast %jit3A_718 : f32 to vector<16xf32>
      %select_n3A_720 = arith.select %lt3A_717, %broadcast_in_dim3A_719, %get3A_714 : vector<16xi1>, vector<16xf32>
      %swap3A_721 = arith.constant 176 : index
      %swap3A_722 = tpu.vector_load %arg17[%swap3A_721] {strides = array<i32>} : memref<304xf32, #tpu.memory_space<vmem>>, vector<16xf32>,
      tpu.vector_store %arg17[%swap3A_721], %select_n3A_720 {strides = array<i32>} : memref<304xf32, #tpu.memory_space<vmem>>, vector<16xf32>,
      %get3A_723 = arith.constant 192 : index
      %get3A_724 = tpu.vector_load %arg17[%get3A_723] {strides = array<i32>} : memref<304xf32, #tpu.memory_space<vmem>>, vector<16xf32>,
      %lt3A_725 = arith.constant 1.000000e-03 : f32
      %lt3A_726 = vector.broadcast %lt3A_725 : f32 to vector<16xf32>
      %lt3A_727 = arith.cmpf olt, %get3A_724, %lt3A_726 : vector<16xf32>
      %jit3A_728 = arith.constant 0.000000e+00 : f32
      %broadcast_in_dim3A_729 = vector.broadcast %jit3A_728 : f32 to vector<16xf32>
      %select_n3A_730 = arith.select %lt3A_727, %broadcast_in_dim3A_729, %get3A_724 : vector<16xi1>, vector<16xf32>
      %swap3A_731 = arith.constant 192 : index
      %swap3A_732 = tpu.vector_load %arg17[%swap3A_731] {strides = array<i32>} : memref<304xf32, #tpu.memory_space<vmem>>, vector<16xf32>,
      tpu.vector_store %arg17[%swap3A_731], %select_n3A_730 {strides = array<i32>} : memref<304xf32, #tpu.memory_space<vmem>>, vector<16xf32>,
      %get3A_733 = arith.constant 208 : index
      %get3A_734 = tpu.vector_load %arg17[%get3A_733] {strides = array<i32>} : memref<304xf32, #tpu.memory_space<vmem>>, vector<16xf32>,
      %lt3A_735 = arith.constant 1.000000e-03 : f32
      %lt3A_736 = vector.broadcast %lt3A_735 : f32 to vector<16xf32>
      %lt3A_737 = arith.cmpf olt, %get3A_734, %lt3A_736 : vector<16xf32>
      %jit3A_738 = arith.constant 0.000000e+00 : f32
      %broadcast_in_dim3A_739 = vector.broadcast %jit3A_738 : f32 to vector<16xf32>
      %select_n3A_740 = arith.select %lt3A_737, %broadcast_in_dim3A_739, %get3A_734 : vector<16xi1>, vector<16xf32>
      %swap3A_741 = arith.constant 208 : index
      %swap3A_742 = tpu.vector_load %arg17[%swap3A_741] {strides = array<i32>} : memref<304xf32, #tpu.memory_space<vmem>>, vector<16xf32>,
      tpu.vector_store %arg17[%swap3A_741], %select_n3A_740 {strides = array<i32>} : memref<304xf32, #tpu.memory_space<vmem>>, vector<16xf32>,
      %get3A_743 = arith.constant 224 : index
      %get3A_744 = tpu.vector_load %arg17[%get3A_743] {strides = array<i32>} : memref<304xf32, #tpu.memory_space<vmem>>, vector<16xf32>,
      %lt3A_745 = arith.constant 1.000000e-03 : f32
      %lt3A_746 = vector.broadcast %lt3A_745 : f32 to vector<16xf32>
      %lt3A_747 = arith.cmpf olt, %get3A_744, %lt3A_746 : vector<16xf32>
      %jit3A_748 = arith.constant 0.000000e+00 : f32
      %broadcast_in_dim3A_749 = vector.broadcast %jit3A_748 : f32 to vector<16xf32>
      %select_n3A_750 = arith.select %lt3A_747, %broadcast_in_dim3A_749, %get3A_744 : vector<16xi1>, vector<16xf32>
      %swap3A_751 = arith.constant 224 : index
      %swap3A_752 = tpu.vector_load %arg17[%swap3A_751] {strides = array<i32>} : memref<304xf32, #tpu.memory_space<vmem>>, vector<16xf32>,
      tpu.vector_store %arg17[%swap3A_751], %select_n3A_750 {strides = array<i32>} : memref<304xf32, #tpu.memory_space<vmem>>, vector<16xf32>,
      %get3A_753 = arith.constant 240 : index
      %get3A_754 = tpu.vector_load %arg17[%get3A_753] {strides = array<i32>} : memref<304xf32, #tpu.memory_space<vmem>>, vector<16xf32>,
      %lt3A_755 = arith.constant 1.000000e-03 : f32
      %lt3A_756 = vector.broadcast %lt3A_755 : f32 to vector<16xf32>
      %lt3A_757 = arith.cmpf olt, %get3A_754, %lt3A_756 : vector<16xf32>
      %jit3A_758 = arith.constant 0.000000e+00 : f32
      %broadcast_in_dim3A_759 = vector.broadcast %jit3A_758 : f32 to vector<16xf32>
      %select_n3A_760 = arith.select %lt3A_757, %broadcast_in_dim3A_759, %get3A_754 : vector<16xi1>, vector<16xf32>
      %swap3A_761 = arith.constant 240 : index
      %swap3A_762 = tpu.vector_load %arg17[%swap3A_761] {strides = array<i32>} : memref<304xf32, #tpu.memory_space<vmem>>, vector<16xf32>,
      tpu.vector_store %arg17[%swap3A_761], %select_n3A_760 {strides = array<i32>} : memref<304xf32, #tpu.memory_space<vmem>>, vector<16xf32>,
      %get3A_763 = arith.constant 256 : index
      %get3A_764 = tpu.vector_load %arg17[%get3A_763] {strides = array<i32>} : memref<304xf32, #tpu.memory_space<vmem>>, vector<16xf32>,
      %lt3A_765 = arith.constant 1.000000e-03 : f32
      %lt3A_766 = vector.broadcast %lt3A_765 : f32 to vector<16xf32>
      %lt3A_767 = arith.cmpf olt, %get3A_764, %lt3A_766 : vector<16xf32>
      %jit3A_768 = arith.constant 0.000000e+00 : f32
      %broadcast_in_dim3A_769 = vector.broadcast %jit3A_768 : f32 to vector<16xf32>
      %select_n3A_770 = arith.select %lt3A_767, %broadcast_in_dim3A_769, %get3A_764 : vector<16xi1>, vector<16xf32>
      %swap3A_771 = arith.constant 256 : index
      %swap3A_772 = tpu.vector_load %arg17[%swap3A_771] {strides = array<i32>} : memref<304xf32, #tpu.memory_space<vmem>>, vector<16xf32>,
      tpu.vector_store %arg17[%swap3A_771], %select_n3A_770 {strides = array<i32>} : memref<304xf32, #tpu.memory_space<vmem>>, vector<16xf32>,
      %get3A_773 = arith.constant 272 : index
      %get3A_774 = tpu.vector_load %arg17[%get3A_773] {strides = array<i32>} : memref<304xf32, #tpu.memory_space<vmem>>, vector<16xf32>,
      %lt3A_775 = arith.constant 1.000000e-03 : f32
      %lt3A_776 = vector.broadcast %lt3A_775 : f32 to vector<16xf32>
      %lt3A_777 = arith.cmpf olt, %get3A_774, %lt3A_776 : vector<16xf32>
      %jit3A_778 = arith.constant 0.000000e+00 : f32
      %broadcast_in_dim3A_779 = vector.broadcast %jit3A_778 : f32 to vector<16xf32>
      %select_n3A_780 = arith.select %lt3A_777, %broadcast_in_dim3A_779, %get3A_774 : vector<16xi1>, vector<16xf32>
      %swap3A_781 = arith.constant 272 : index
      %swap3A_782 = tpu.vector_load %arg17[%swap3A_781] {strides = array<i32>} : memref<304xf32, #tpu.memory_space<vmem>>, vector<16xf32>,
      tpu.vector_store %arg17[%swap3A_781], %select_n3A_780 {strides = array<i32>} : memref<304xf32, #tpu.memory_space<vmem>>, vector<16xf32>,
      %get3A_783 = arith.constant 288 : index
      %get3A_784 = tpu.vector_load %arg17[%get3A_783] {strides = array<i32>} : memref<304xf32, #tpu.memory_space<vmem>>, vector<16xf32>,
      %lt3A_785 = arith.constant 1.000000e-03 : f32
      %lt3A_786 = vector.broadcast %lt3A_785 : f32 to vector<16xf32>
      %lt3A_787 = arith.cmpf olt, %get3A_784, %lt3A_786 : vector<16xf32>
      %jit3A_788 = arith.constant 0.000000e+00 : f32
      %broadcast_in_dim3A_789 = vector.broadcast %jit3A_788 : f32 to vector<16xf32>
      %select_n3A_790 = arith.select %lt3A_787, %broadcast_in_dim3A_789, %get3A_784 : vector<16xi1>, vector<16xf32>
      %swap3A_791 = arith.constant 288 : index
      %swap3A_792 = tpu.vector_load %arg17[%swap3A_791] {strides = array<i32>} : memref<304xf32, #tpu.memory_space<vmem>>, vector<16xf32>,
      tpu.vector_store %arg17[%swap3A_791], %select_n3A_790 {strides = array<i32>} : memref<304xf32, #tpu.memory_space<vmem>>, vector<16xf32>,
      "tpu.region"() ({
        %run_scoped3A = tpu.sem_alloc : memref<!tpu.dma_semaphore, #tpu.memory_space<semaphore_mem>>
        %dma_start3A = arith.constant 0 : i32
        %dma_start3A_793 = tpu.memref_slice %arg17[%dma_start3A] : memref<304xf32, #tpu.memory_space<vmem>> -> memref<300xf32, #tpu.memory_space<vmem>>
        %dma_start3A_794 = arith.constant 0 : i32
        %dma_start3A_795 = tpu.memref_slice %arg17[%dma_start3A_794] : memref<304xf32, #tpu.memory_space<vmem>> -> memref<300xf32, #tpu.memory_space<vmem>>
        tpu.enqueue_dma source(%dma_start3A_795 : memref<300xf32, #tpu.memory_space<vmem>>) target(%arg7 : memref<300xf32, #tpu.memory_space<hbm>>) target_semaphore(%run_scoped3A : memref<!tpu.dma_semaphore, #tpu.memory_space<semaphore_mem>>)
        %dma_wait3A = arith.constant 0 : i32
        %dma_wait3A_796 = tpu.memref_slice %arg17[%dma_wait3A] : memref<304xf32, #tpu.memory_space<vmem>> -> memref<300xf32, #tpu.memory_space<vmem>>
        %dma_wait3A_797 = arith.constant 0 : i32
        %dma_wait3A_798 = tpu.memref_slice %arg17[%dma_wait3A_797] : memref<304xf32, #tpu.memory_space<vmem>> -> memref<300xf32, #tpu.memory_space<vmem>>
        tpu.wait_dma2 semaphore(%run_scoped3A : memref<!tpu.dma_semaphore, #tpu.memory_space<semaphore_mem>>) src(%dma_wait3A_798 : memref<300xf32, #tpu.memory_space<vmem>>) dst(%arg7 : memref<300xf32, #tpu.memory_space<hbm>>)
        tpu.yield
      }) : () -> ()
    } else {
    }
    return
  }
}

</mosaic_0001>

<sc_bundles>
// kernel: kernel.3.cloned.1.call-start
scs
__scs_entry_jumppad:
0x0: {  	(pc) =	sbr.rel $0x88, $3  }
0x1: {  	(tag) =	ssettag $0x0;
	lr =	simm.s32 $0x1  }
0x2: {  	[smem:$0x3F9F] =	sst lr;
	_ =	strace $0xD0000000  }
0x3: {  	_ = 	snop  }
0x4: {  	_ = 	snop  }
0x5: {  	_ = 	snop  }
0x6: {  	_ = 	snop  }
0x7: {  	_ = 	snop  }
__scs_overlays_trampoline_lowered:
0x8: {  	[smem:$0x3FAE] =	sst s0  }
0x9: {  	[smem:$0x3FAF] =	sst s1  }
0xa: {  	[smem:$0x3FB0] =	sst s2  }
0xb: {  	[smem:$0x3FB1] =	sst s3  }
0xc: {  	[smem:$0x3FB2] =	sst s4  }
0xd: {  	[smem:$0x3FB3] =	sst s5  }
0xe: {  	[smem:$0x3FB4] =	sst s6  }
0xf: {  	[smem:$0x3FB5] =	sst s7  }
0x10: {  	[smem:$0x3FB6] =	sst s8  }
0x11: {  	[smem:$0x3FB7] =	sst s9;
	s0 =	simm.s32 @!p0 $0x0  }
0x12: {  	s1 =	sld [smem:$0x3F9D];
	s0 =	simm.s32 @p0 $0x1  }
0x13: {  	[smem:$0x3FB8] =	sst s0;
	s0 =	simm.s32 @!p1 $0x0  }
0x14: {  	s2 =	sld [smem:$0x3F9C];
	s0 =	simm.s32 @p1 $0x1  }
0x15: {  	[smem:$0x3FB9] =	sst s0;
	s0 =	simm.s32 @!p2 $0x0  }
0x16: {  	s3 =	sld [smem:$0x3FDB];
	s0 =	simm.s32 @p2 $0x1  }
0x17: {  	s4 =	simm.s32 $0x1BF5;
	[smem:$0x3FBB] =	sst s0  }
0x18: {  	s0 =	sld [smem:$0x3F9E];
	_ =	swait.ge [sflag:s4], $0x0  }
0x19: {  	s7 =	sld [smem:$0x3F9F]  }
0x1a: {  	s8 =	sadd.s32 $0xFFFFE003, lr  }
0x1b: {  	s9 =	sadd.s32 $0xFFFFFEF7, lr;
	s5 =	simm.s32 $0xFFFFFFFF;
	p2 =	slt.u32 s8, $0xFFFFF086  }
0x1c: {  	p1 =	slt.u32 s9, $0xF7A;
	s5 =	simm.s32 @!p2 $0x0  }
0x1d: {  	s5 =	simm.s32 @p1 $0x1;
	p0 =	seq.s32 s7, s2  }
0x1e: {  	s7 =	smul.u32 @!p0 $0xF7A, s2;
	p2 =	seq.s32 @!p0 s5, $0x0  }
0x1f: {  	s9 =	smul.u32 $0xF7A, s1;
	s8 =	simm.s32 @!p0 $0x1BF5;
	p2 =	por !p2, p0  }
0x20: {  	[sflag:s8] =	ssyncset.s32 @!p0 $0xFFFFF086;
	s6 =	sadd.s32 @!p0 s3, s7;
	s7 =	simm.s32 @!p0 $0x108  }
0x21: {  	s3 =	sadd.s32 s3, s9;
	s6 =	sadd.s32 @!p0 $0x88, s6;
	s7 =	simm.s32 @p2 $0x1082  }
0x22: {  	[simem:s7], [sflag:s8] =	dma.local @!p0 [hbm:s6], $0xF7A  }
0x23: {  	s9 =	sor.u32 $0xD0000000, s2;
	s6 =	simm.s32 $0x108;
	_ =	swait.ge @!p0 [sflag:s8], $0x0  }
0x24: {  	s3 =	sadd.s32 $0x88, s3;
	s6 =	simm.s32 @!p1 $0x1082;
	[sflag:s4] =	ssyncset.s32 $0xFFFFF086  }
0x25: {  	[simem:s6], [sflag:s4] =	dma.local [hbm:s3], $0xF7A  }
0x26: {  	[smem:$0x3F9F] =	sst s1;
	(tag) =	ssettag s2;
	_ =	strace s9  }
0x27: {  	s1 =	sld [smem:$0x3FAF]  }
0x28: {  	s2 =	sld [smem:$0x3FB0]  }
0x29: {  	s4 =	sld [smem:$0x3FB2]  }
0x2a: {  	p0 =	seq.s32 s5, $0x0;
	s5 =	sld [smem:$0x3FB3]  }
0x2b: {  	s6 =	sld [smem:$0x3FB4]  }
0x2c: {  	s7 =	sld [smem:$0x3FB5]  }
0x2d: {  	s3 =	simm.s32 $0x108;
	s8 =	sld [smem:$0x3FB6]  }
0x2e: {  	s3 =	simm.s32 @!p0 $0x1082;
	s9 =	sld [smem:$0x3FB7]  }
0x2f: {  	lr =	sadd.s32 s0, s3;
	s0 =	sld [smem:$0x3FAE]  }
0x30: {  	s3 =	sld [smem:$0x3FB1]  }
0x31: {  	[smem:$0x3FBA] =	sst s10  }
0x32: {  	s10 =	sld [smem:$0x3FB8];
	_ =	sdelay $0x3  }
0x33: {  	p0 =	seq.s32 s10, $0x1;
	s10 =	sld [smem:$0x3FBA];
	_ =	sdelay $0x3  }
0x34: {  	[smem:$0x3FBA] =	sst s10  }
0x35: {  	s10 =	sld [smem:$0x3FB9];
	_ =	sdelay $0x3  }
0x36: {  	p1 =	seq.s32 s10, $0x1;
	s10 =	sld [smem:$0x3FBA];
	_ =	sdelay $0x3  }
0x37: {  	[smem:$0x3FBA] =	sst s10  }
0x38: {  	s10 =	sld [smem:$0x3FBB]  }
0x39: {  	_ = 	snop;
	(pc) =	sbr.ind lr, $3  }
0x3a: {  	_ = 	snop  }
0x3b: {  	_ = 	snop  }
0x3c: {  	p2 =	seq.s32 s10, $0x1;
	s10 =	sld [smem:$0x3FBA]  }
0x3d: {  	_ =	shalt  }
0x3e: {  	_ =	shalt  }
0x3f: {  	_ =	shalt  }
0x40: {  	_ =	shalt  }
0x41: {  	_ =	shalt  }
0x42: {  	_ =	shalt  }
0x43: {  	_ =	shalt  }
0x44: {  	_ =	shalt  }
0x45: {  	_ =	shalt  }
0x46: {  	_ =	shalt  }
0x47: {  	_ =	shalt  }
0x48: {  	_ =	shalt  }
0x49: {  	_ =	shalt  }
0x4a: {  	_ =	shalt  }
0x4b: {  	_ =	shalt  }
0x4c: {  	_ =	shalt  }
0x4d: {  	_ =	shalt  }
0x4e: {  	_ =	shalt  }
0x4f: {  	_ =	shalt  }
0x50: {  	_ =	shalt  }
0x51: {  	_ =	shalt  }
0x52: {  	_ =	shalt  }
0x53: {  	_ =	shalt  }
0x54: {  	_ =	shalt  }
0x55: {  	_ =	shalt  }
0x56: {  	_ =	shalt  }
0x57: {  	_ =	shalt  }
0x58: {  	_ =	shalt  }
0x59: {  	_ =	shalt  }
0x5a: {  	_ =	shalt  }
0x5b: {  	_ =	shalt  }
0x5c: {  	_ =	shalt  }
0x5d: {  	_ =	shalt  }
0x5e: {  	_ =	shalt  }
0x5f: {  	_ =	shalt  }
0x60: {  	_ =	shalt  }
0x61: {  	_ =	shalt  }
0x62: {  	_ =	shalt  }
0x63: {  	_ =	shalt  }
0x64: {  	_ =	shalt  }
0x65: {  	_ =	shalt  }
0x66: {  	_ =	shalt  }
0x67: {  	_ =	shalt  }
0x68: {  	_ =	shalt  }
0x69: {  	_ =	shalt  }
0x6a: {  	_ =	shalt  }
0x6b: {  	_ =	shalt  }
0x6c: {  	_ =	shalt  }
0x6d: {  	_ =	shalt  }
0x6e: {  	_ =	shalt  }
0x6f: {  	_ =	shalt  }
0x70: {  	_ =	shalt  }
0x71: {  	_ =	shalt  }
0x72: {  	_ =	shalt  }
0x73: {  	_ =	shalt  }
0x74: {  	_ =	shalt  }
0x75: {  	_ =	shalt  }
0x76: {  	_ =	shalt  }
0x77: {  	_ =	shalt  }
0x78: {  	_ =	shalt  }
0x79: {  	_ =	shalt  }
0x7a: {  	_ =	shalt  }
0x7b: {  	_ =	shalt  }
0x7c: {  	_ =	shalt  }
0x7d: {  	_ =	shalt  }
0x7e: {  	_ =	shalt  }
0x7f: {  	_ =	shalt  }
0x80: {  	_ =	shalt  }
0x81: {  	_ =	shalt  }
0x82: {  	_ =	shalt  }
0x83: {  	_ =	shalt  }
0x84: {  	_ =	shalt  }
0x85: {  	_ =	shalt  }
0x86: {  	_ =	shalt  }
0x87: {  	_ =	shalt  }
.Lfunc_end0:
.L_simem_size_0:
called_computation_lowered:
.L_overlay_start_0:
0x88: {  	s2 =	sld [smem:$0x3FD9]  }
0x89: {  	s3 =	sld [smem:$0x3FFE];
	_ =	sdelay $0x1  }
0x8a: {  	s1 =	srdreg.scid  }
0x8b: {  	s0 =	sand.u32 $0x1, s1  }
0x8c: {  	s17 =	sshll.u32 s0, $0xA;
	s2 =	sadd.s32 s3, s2  }
0x8d: {  	s2 =	sadd.s32 s2, s17  }
0x8e: {  	[smem:$0x3FC6] =	sst s2  }
0x8f: {  	_ = 	snop  }
0x90: {  	s2 =	sld [smem:$0x3FD0];
	(tm) =	ssettm $0x1  }
0x91: {  	s18 =	sld [smem:$0x3FFB];
	_ =	sdelay $0x3  }
0x92: {  	_ =	strace s18  }
0x93: {  	s3 =	sld [smem:$0x3FFC];
	_ =	sdelay $0x3  }
0x94: {  	_ =	strace s3  }
0x95: {  	s3 =	sld [smem:$0x3FFD];
	_ =	sdelay $0x3  }
0x96: {  	_ =	strace s3  }
0x97: {  	_ =	strace $0x8FFFFFFF  }
0x98: {  	s19 =	sld [smem:$0x3FDB];
	_ =	sdelay $0x1  }
0x99: {  	s4 =	simm.s32 $_scs_section_size  }
0x9a: {  	s5 =	simm.s32 $_size__tile_overlayer_lowered;
	s6 =	simm.s32 $_tile_overlayer_lowered  }
0x9b: {  	s22 =	simm.s32 $0x1BFF;
	s21 =	sshll.u32 s6, $0x1;
	s3 =	sadd.s32 s4, s19  }
0x9c: {  	s7 =	simm.s32 $0x0;
	s20 =	sshll.u32 s5, $0x1;
	s5 =	sadd.s32 s21, s3  }
0x9d: {  	[timem:s7], [sflag:s22] =	dma.local [hbm:s5], s20  }
0x9e: {  	_ =	swait.ge [sflag:s22], s20  }
0x9f: {  	s4 =	ssub.s32 $0x0, s20;
	[sflag:s22] =	ssyncset.done $0x0  }
0xa0: {  	[sflag:s22] =	ssyncadd.s32 s4;
	_ =	sdelay $0x1  }
0xa1: {  	s23 =	simm.s32 $0x1B8B  }
0xa2: {  	_ =	swait.ge [sflag:s23], $0x1  }
0xa3: {  	[sflag:s23] =	ssyncset.done $0x0  }
0xa4: {  	s25 =	simm.s32 $0x1B8E;
	s24 =	sld [smem:$0x3FFE];
	[sflag:s23] =	ssyncadd.s32 $0xFFFFFFFF  }
0xa5: {  	s26 =	simm.s32 $execute0_lowered;
	[smem:$0x3FD2] =	sst s25  }
0xa6: {  	s5 =	sshll.u32 s26, $0x1;
	_ =	strace $0x80000046;
	[dreg:$0x1] =	wrdreg $0xFFFFFFFF  }
0xa7: {  	s28 =	simm.s32 $_size_execute0_lowered;
	s3 =	sadd.s32 s3, s5;
	[dreg:$0x0] =	wrdreg $0x0  }
0xa8: {  	s5 =	sshll.u32 s28, $0x1;
	[dreg:$0x2] =	wrdreg s3  }
0xa9: {  	[dreg:$0x3] =	wrdreg s5  }
0xaa: {  	[dreg:$0x4] =	wrdreg $0xC0  }
0xab: {  	_ =	task [dreg:s7], $0x5FFFF  }
0xac: {  	[dreg:$0x1] =	wrdreg $0xFFFFFFFF  }
0xad: {  	[dreg:$0x0] =	wrdreg $0x60  }
0xae: {  	[dreg:$0x2] =	wrdreg s24  }
0xaf: {  	[dreg:$0x3] =	wrdreg s2  }
0xb0: {  	[dreg:$0x4] =	wrdreg $0x66000  }
0xb1: {  	[dreg:$0x5] =	wrdreg $0x9  }
0xb2: {  	_ =	task.clear_ibuf [dreg:s7], $0x6FFFF;
	_ =	strace $0x90000046  }
0xb3: {  	s29 =	simm.s32 $0x9;
	_ =	strace $0x80000048  }
0xb4: {  	_ =	swait.ge [sflag:s29], $0x1  }
0xb5: {  	[sflag:s29] =	ssyncadd.s32 $0xFFFFFFFF  }
0xb6: {  	_ =	strace $0x90000048  }
0xb7: {  	_ =	sfence  }
0xb8: {  	s30 =	sld [smem:$0x0];
	_ =	sdelay $0x2  }
0xb9: {  	s31 =	sshll.u32 s1, $0xD;
	s1 =	sshrl.u32 s1, $0x2  }
0xba: {  	s3 =	sand.u32 $0x4000, s31;
	s1 =	sadd.s32 s1, s30  }
0xbb: {  	s0 =	sor.u32 s3, s0;
	s1 =	sshll.u32 s1, $0x11  }
0xbc: {  	s0 =	sor.u32 s1, s0  }
0xbd: {  	s0 =	sadd.s32 $0x8F2B, s0  }
0xbe: {  	[sflag:s0] =	ssyncadd.remote.s32 $0x1  }
0xbf: {  	_ =	sfence.sel $0xFFFF  }
0xc0: {  	[dreg:$0x0] =	wrdreg $0xFFFFFFFF;
	(pc) =	sbr.abs _section_cstart, $3  }
0xc1: {  	[dreg:$0x1] =	wrdreg $0xFFFFFFFF  }
0xc2: {  	_ =	task.clear_ibuf [dreg:s7], $0x2FFFF;
	_ =	strace $0x9FFFFFFF  }
0xc3: {  	(tm) =	ssettm $0x7FFFFFFF  }
tec
execute0_lowered:
.L_overlay_start_1:
0x0: {  	(tag) =	ssettag $0x1  }
0x1: {  	s0 =	rddreg [dreg:$0x0]  }
0x2: {  	s2 =	rddreg [dreg:$0x2];
	s1 =	simm.s32 $0x0;
	s7 =	stileid.u32  }
0x3: {  	s9 =	srdreg.scid;
	[smem:$0x7FF] =	sst s1  }
0x4: {  	s8 =	sadd.s32 $0x1400, s0;
	s6 =	smul.u32 $0x140, s7;
	s3 =	sadd.s32 $0xC00, s0  }
0x5: {  	s10 =	sadd.s32 $0x1000, s0;
	_ =	strace $0x80000047;
	[dreg:$0x4] =	wrdreg s8  }
0x6: {  	s1 =	sand.u32 $0x1, s9;
	s11 =	sadd.s32 $0x800, s0;
	[dreg:$0x5] =	wrdreg s3  }
0x7: {  	s24 =	sshll.u32 s7, $0x5;
	s9 =	simm.s32 $0x6580;
	[dreg:$0x6] =	wrdreg s10  }
0x8: {  	[dreg:$0x7] =	wrdreg s11;
	s4 =	ssub.s32 $0x2, s1;
	s14 =	sadd.s32 $0x40, s6  }
0x9: {  	s1 =	sor.u32 s1, s7;
	s15 =	sadd.s32 $0x50, s6;
	[dreg:$0x9] =	wrdreg s14  }
0xa: {  	s7 =	simm.s32 $0x3C00;
	s16 =	sadd.s32 $0x60, s6;
	[dreg:$0xa] =	wrdreg s15  }
0xb: {  	s8 =	simm.s32 $0x6400;
	s17 =	sadd.s32 $0x70, s6;
	[dreg:$0xb] =	wrdreg s16  }
0xc: {  	s10 =	simm.s32 $0x6610;
	s18 =	sadd.s32 $0x80, s6;
	[dreg:$0xc] =	wrdreg s17  }
0xd: {  	s12 =	sshrl.u32 s6, $0x3;
	s19 =	sadd.s32 $0x90, s6;
	[dreg:$0xd] =	wrdreg s18  }
0xe: {  	s13 =	sshrl.u32 s4, $0x1;
	s20 =	sadd.s32 $0xA0, s6;
	[dreg:$0xe] =	wrdreg s19  }
0xf: {  	v2 =	vlaneseq.u32;
	v19 =	vimm.s32 $0x0;
	vm0 =	vcmask $0xB08;
	s5 =	sadd.s32 $0x140, s6;
	s21 =	sadd.s32 $0xB0, s6;
	[dreg:$0xf] =	wrdreg s20  }
0x10: {  	vm1 =	vcmask $0x300;
	v29 =	vimm.s32 $0x10;
	v30 =	vimm.f32 $-1.000000000e+00;
	s11 =	sor.u32 $0x10, s6;
	s22 =	sadd.s32 $0xC0, s6;
	[dreg:$0x10] =	wrdreg s21  }
0x11: {  	v4 =	vor.u32 $0x10, v2;
	v5 =	vor.u32 $0x20, v2;
	v6 =	vor.u32 $0x30, v2;
	s23 =	sadd.s32 $0xD0, s6;
	p0 =	sne.s32 s1, $0x0;
	[dreg:$0x11] =	wrdreg s22  }
0x12: {  	v7 =	vor.u32 $0x40, v2;
	v8 =	vor.u32 $0x50, v2;
	v9 =	vor.u32 $0x60, v2;
	s26 =	sadd.s32 $0xE0, s6;
	s28 =	sadd.s32 $0xF0, s6;
	[dreg:$0x12] =	wrdreg s23  }
0x13: {  	v10 =	vor.u32 $0x70, v2;
	v11 =	vor.u32 $0x80, v2;
	v12 =	vor.u32 $0x90, v2;
	s29 =	sadd.s32 $0x100, s6;
	s30 =	sadd.s32 $0x110, s6;
	[dreg:$0x14] =	wrdreg s26  }
0x14: {  	v13 =	vor.u32 $0xA0, v2;
	v14 =	vor.u32 $0xB0, v2;
	v15 =	vor.u32 $0xC0, v2;
	s31 =	sadd.s32 $0x120, s6;
	s1 =	simm.s32 $0x1400;
	[dreg:$0x15] =	wrdreg s28  }
0x15: {  	v16 =	vor.u32 $0xD0, v2;
	v17 =	vor.u32 $0xE0, v2;
	v18 =	vor.u32 $0xF0, v2;
	s0 =	sadd.s32 s12, s0;
	s3 =	ssub.s32 s4, s13;
	[dreg:$0x16] =	wrdreg s29  }
.Ltmp0:
0x16: {  	v20 =	vor.u32 $0x100, v2;
	v21 =	vor.u32 $0x110, v2;
	v22 =	vsel vm0, $0x10, v19;
	s12 =	sor.u32 $0x20, s6;
	[dreg:$0x17] =	wrdreg s30;
	(pc) =	sbr.rel .LBB2_1-.Ltmp0, $4  }
0x17: {  	vm0 =	vcmask $0xF0C;
	v23 =	vmul.u32 $0x8, v2;
	v24 =	vor.u32 $0x120, v2;
	s13 =	sor.u32 $0x30, s6;
	[dreg:$0x18] =	wrdreg s31;
	s0 =	sadd.s32 $0x1800, s0  }
0x18: {  	v25 =	vor.u32 $0x130, v2;
	vm0 =	vmor vm1, vm0;
	v1 =	vmov s5;
	s5 =	simm.s32 $0x2800;
	s25 =	smax.u32 s3, $0x1;
	[dreg:$0x8] =	wrdreg s0  }
0x19: {  	vm1 =	vmmov $0x1;
	v0 =	vmov s6;
	v3 =	vor.u32 s6, v2;
	s4 =	simm.s32 $0x0;
	s3 =	simm.s32 $0x1;
	[dreg:$0x13] =	wrdreg s25  }
0x1a: {  	v26 =	vor.u32 $0x3, v23;
	v27 =	vor.u32 $0x1, v23;
	v28 =	vor.u32 $0x2, v23;
	s25 =	sshrl.u32 s24, $0x2;
	s0 =	sadd.s32 $0x130, s6;
	s24 =	simm.s32 $0x5000  }
.LBB2_11:
0x1b: {  	s4 =	sadd.s32 $0x1, s4;
	s14 =	rddreg [dreg:$0x13]  }
0x1c: {  	p1 =	sne.s32 s4, s14  }
.Ltmp1:
0x1d: {  	_ = 	snop;
	(pc) =	sbr.rel @!p1 .LBB2_12-.Ltmp1, $1  }
0x1e: {  	_ =	sdelay $0x3  }
.LBB2_1:
0x1f: {  	s14 =	simm.s32 $0x0;
	s15 =	rddreg [dreg:$0x4]  }
0x20: {  	[tilespmem:s14], [sflag:$0x1] =	stream.linear.gather [hbm4b:s15+s14], $0x1400, $0x38;
	[tilespmem:$0x6F90] =	vst v63  }
0x21: {  	_ =	swait.ge [sflag:s3], $0x1400  }
0x22: {  	[sflag:s3] =	ssyncset.done $0x0  }
0x23: {  	s28 =	rddreg [dreg:$0x5];
	[sflag:s3] =	ssyncadd.s32 $0xFFFFEC00  }
0x24: {  	[tilespmem:s1], [sflag:$0x1] =	stream.linear.gather [hbm4b:s28+s14], $0x1400, $0x38;
	[tilespmem:$0x6F90] =	vst v63  }
0x25: {  	_ =	swait.ge [sflag:s3], $0x1400  }
0x26: {  	[sflag:s3] =	ssyncset.done $0x0  }
0x27: {  	s29 =	rddreg [dreg:$0x6];
	[sflag:s3] =	ssyncadd.s32 $0xFFFFEC00  }
0x28: {  	[tilespmem:s5], [sflag:$0x1] =	stream.linear.gather [hbm4b:s29+s14], $0x1400, $0x38;
	[tilespmem:$0x6F90] =	vst v63  }
0x29: {  	_ =	swait.ge [sflag:s3], $0x1400  }
0x2a: {  	[sflag:s3] =	ssyncset.done $0x0  }
0x2b: {  	s30 =	rddreg [dreg:$0x7];
	[sflag:s3] =	ssyncadd.s32 $0xFFFFEC00  }
0x2c: {  	[tilespmem:s7], [sflag:$0x1] =	stream.linear.gather [hbm4b:s30+s14], $0x1400, $0x38;
	[tilespmem:$0x6F90] =	vst v63  }
0x2d: {  	_ =	swait.ge [sflag:s3], $0x1400  }
0x2e: {  	[sflag:s3] =	ssyncset.done $0x0  }
0x2f: {  	s31 =	rddreg [dreg:$0x8];
	[sflag:s3] =	ssyncadd.s32 $0xFFFFEC00  }
0x30: {  	[tilespmem:s8], [sflag:$0x1] =	stream.linear.gather [hbm4b:s31+s14], $0x140, $0x38;
	[tilespmem:$0x6F90] =	vst v63  }
0x31: {  	_ =	swait.ge [sflag:s3], $0x140  }
0x32: {  	[sflag:s3] =	ssyncset.done $0x0  }
0x33: {  	s14 =	simm.s32 $0x0;
	[sflag:s3] =	ssyncadd.s32 $0xFFFFFEC0  }
0x34: {  	v33 =	vld [tilespmem:s14+$0x0]  }
0x35: {  	v34 =	vld [tilespmem:s14+$0x1400]  }
0x36: {  	v35 =	vld [tilespmem:s14+$0x2800]  }
0x37: {  	v36 =	vld [tilespmem:s14+$0x3C00];
	_ =	sdelay $0x1  }
0x38: {  	s15 =	simm.s32 $0x10  }
0x39: {  	v31 =	vld [tilespmem:s15+$0x0]  }
0x3a: {  	v32 =	vld [tilespmem:s15+$0x1400]  }
0x3b: {  	v35 =	vsub.f32 v35, v33;
	v36 =	vsub.f32 v36, v34;
	v33 =	vld [tilespmem:s15+$0x2800]  }
0x3c: {  	v34 =	vld [tilespmem:s15+$0x3C00]  }
0x3d: {  	s16 =	simm.s32 $0x80;
	v35 =	vmul.f32 v36, v35  }
.LBB2_2:
0x3e: {  	s17 =	sshra.s32 s16, $0x2;
	v36 =	vmov v31;
	p1 =	sne.s32 s16, $0x4FC0  }
.Ltmp2:
0x3f: {  	v31 =	vld [tilespmem:s17+$0x0];
	[tilespmem:s14+$0x5000] =	vst v35;
	v35 =	vmov v32;
	s14 =	smov.u32 s15;
	s15 =	smov.u32 s17;
	(pc) =	sbr.rel @p1 .LBB2_2-.Ltmp2, $4  }
0x40: {  	v32 =	vld [tilespmem:s15+$0x1400]  }
0x41: {  	s16 =	sadd.s32 $0x40, s16;
	v36 =	vsub.f32 v33, v36;
	v33 =	vld [tilespmem:s15+$0x2800];
	v35 =	vsub.f32 v34, v35  }
0x42: {  	v34 =	vld [tilespmem:s15+$0x3C00]  }
0x43: {  	v35 =	vmul.f32 v35, v36  }
0x44: {  	_ =	sdelay $0x2  }
0x45: {  	v31 =	vsub.f32 v33, v31;
	v32 =	vsub.f32 v34, v32;
	_ =	sdelay $0x1  }
0x46: {  	v31 =	vmul.f32 v32, v31  }
0x47: {  	[tilespmem:s14+$0x5000] =	vst v35  }
0x48: {  	[tilespmem:s15+$0x5000] =	vst v31  }
0x49: {  	v31 =	vld [tilespmem:s6+$0x0];
	_ =	sdelay $0x4  }
0x4a: {  	[tilespmem:$0x6810] =	vst v31  }
0x4b: {  	v31 =	vld [tilespmem:s6+$0x1400];
	_ =	sdelay $0x4  }
0x4c: {  	[tilespmem:$0x6990] =	vst v31  }
0x4d: {  	v31 =	vld [tilespmem:s6+$0x2800];
	_ =	sdelay $0x4  }
0x4e: {  	[tilespmem:$0x6B10] =	vst v31  }
0x4f: {  	v31 =	vld [tilespmem:s6+$0x3C00];
	_ =	sdelay $0x4  }
0x50: {  	[tilespmem:$0x6C90] =	vst v31  }
0x51: {  	v31 =	vld [tilespmem:s6+$0x5000];
	_ =	sdelay $0x4  }
0x52: {  	[tilespmem:$0x6E10] =	vst v31  }
0x53: {  	v31 =	vld [tilespmem:s11+$0x0];
	_ =	sdelay $0x4  }
0x54: {  	[tilespmem:$0x6820] =	vst v31  }
0x55: {  	v31 =	vld [tilespmem:s11+$0x1400];
	_ =	sdelay $0x4  }
0x56: {  	[tilespmem:$0x69A0] =	vst v31  }
0x57: {  	v31 =	vld [tilespmem:s11+$0x2800];
	_ =	sdelay $0x4  }
0x58: {  	[tilespmem:$0x6B20] =	vst v31  }
0x59: {  	v31 =	vld [tilespmem:s11+$0x3C00];
	_ =	sdelay $0x4  }
0x5a: {  	[tilespmem:$0x6CA0] =	vst v31  }
0x5b: {  	v31 =	vld [tilespmem:s11+$0x5000];
	_ =	sdelay $0x4  }
0x5c: {  	[tilespmem:$0x6E20] =	vst v31  }
0x5d: {  	v31 =	vld [tilespmem:s12+$0x0];
	_ =	sdelay $0x4  }
0x5e: {  	[tilespmem:$0x6830] =	vst v31  }
0x5f: {  	v31 =	vld [tilespmem:s12+$0x1400];
	_ =	sdelay $0x4  }
0x60: {  	[tilespmem:$0x69B0] =	vst v31  }
0x61: {  	v31 =	vld [tilespmem:s12+$0x2800];
	_ =	sdelay $0x4  }
0x62: {  	[tilespmem:$0x6B30] =	vst v31  }
0x63: {  	v31 =	vld [tilespmem:s12+$0x3C00];
	_ =	sdelay $0x4  }
0x64: {  	[tilespmem:$0x6CB0] =	vst v31  }
0x65: {  	v31 =	vld [tilespmem:s12+$0x5000];
	_ =	sdelay $0x4  }
0x66: {  	[tilespmem:$0x6E30] =	vst v31  }
0x67: {  	v31 =	vld [tilespmem:s13+$0x0];
	_ =	sdelay $0x4  }
0x68: {  	[tilespmem:$0x6840] =	vst v31  }
0x69: {  	v31 =	vld [tilespmem:s13+$0x1400];
	_ =	sdelay $0x4  }
0x6a: {  	[tilespmem:$0x69C0] =	vst v31  }
0x6b: {  	v31 =	vld [tilespmem:s13+$0x2800];
	_ =	sdelay $0x4  }
0x6c: {  	[tilespmem:$0x6B40] =	vst v31  }
0x6d: {  	v31 =	vld [tilespmem:s13+$0x3C00];
	_ =	sdelay $0x4  }
0x6e: {  	[tilespmem:$0x6CC0] =	vst v31  }
0x6f: {  	v31 =	vld [tilespmem:s13+$0x5000];
	_ =	sdelay $0x4  }
0x70: {  	[tilespmem:$0x6E40] =	vst v31  }
0x71: {  	v31 =	vld [tilespmem:s6+$0x40];
	_ =	sdelay $0x4  }
0x72: {  	s31 =	rddreg [dreg:$0x9];
	[tilespmem:$0x6850] =	vst v31  }
0x73: {  	v31 =	vld [tilespmem:s31+$0x1400];
	_ =	sdelay $0x4  }
0x74: {  	[tilespmem:$0x69D0] =	vst v31  }
0x75: {  	v31 =	vld [tilespmem:s31+$0x2800];
	_ =	sdelay $0x4  }
0x76: {  	[tilespmem:$0x6B50] =	vst v31  }
0x77: {  	v31 =	vld [tilespmem:s31+$0x3C00];
	_ =	sdelay $0x4  }
0x78: {  	[tilespmem:$0x6CD0] =	vst v31  }
0x79: {  	v31 =	vld [tilespmem:s31+$0x5000];
	_ =	sdelay $0x4  }
0x7a: {  	[tilespmem:$0x6E50] =	vst v31  }
0x7b: {  	v31 =	vld [tilespmem:s6+$0x50];
	_ =	sdelay $0x4  }
0x7c: {  	s15 =	rddreg [dreg:$0xa];
	[tilespmem:$0x6860] =	vst v31  }
0x7d: {  	v31 =	vld [tilespmem:s15+$0x1400];
	_ =	sdelay $0x4  }
0x7e: {  	[tilespmem:$0x69E0] =	vst v31  }
0x7f: {  	v31 =	vld [tilespmem:s15+$0x2800];
	_ =	sdelay $0x4  }
0x80: {  	[tilespmem:$0x6B60] =	vst v31  }
0x81: {  	v31 =	vld [tilespmem:s15+$0x3C00];
	_ =	sdelay $0x4  }
0x82: {  	[tilespmem:$0x6CE0] =	vst v31  }
0x83: {  	v31 =	vld [tilespmem:s15+$0x5000];
	_ =	sdelay $0x4  }
0x84: {  	[tilespmem:$0x6E60] =	vst v31  }
0x85: {  	v31 =	vld [tilespmem:s6+$0x60];
	_ =	sdelay $0x4  }
0x86: {  	s16 =	rddreg [dreg:$0xb];
	[tilespmem:$0x6870] =	vst v31  }
0x87: {  	v31 =	vld [tilespmem:s16+$0x1400];
	_ =	sdelay $0x4  }
0x88: {  	[tilespmem:$0x69F0] =	vst v31  }
0x89: {  	v31 =	vld [tilespmem:s16+$0x2800];
	_ =	sdelay $0x4  }
0x8a: {  	[tilespmem:$0x6B70] =	vst v31  }
0x8b: {  	v31 =	vld [tilespmem:s16+$0x3C00];
	_ =	sdelay $0x4  }
0x8c: {  	[tilespmem:$0x6CF0] =	vst v31  }
0x8d: {  	v31 =	vld [tilespmem:s16+$0x5000];
	_ =	sdelay $0x4  }
0x8e: {  	[tilespmem:$0x6E70] =	vst v31  }
0x8f: {  	v31 =	vld [tilespmem:s6+$0x70];
	_ =	sdelay $0x4  }
0x90: {  	s17 =	rddreg [dreg:$0xc];
	[tilespmem:$0x6880] =	vst v31  }
0x91: {  	v31 =	vld [tilespmem:s17+$0x1400];
	_ =	sdelay $0x4  }
0x92: {  	[tilespmem:$0x6A00] =	vst v31  }
0x93: {  	v31 =	vld [tilespmem:s17+$0x2800];
	_ =	sdelay $0x4  }
0x94: {  	[tilespmem:$0x6B80] =	vst v31  }
0x95: {  	v31 =	vld [tilespmem:s17+$0x3C00];
	_ =	sdelay $0x4  }
0x96: {  	[tilespmem:$0x6D00] =	vst v31  }
0x97: {  	v31 =	vld [tilespmem:s17+$0x5000];
	_ =	sdelay $0x4  }
0x98: {  	[tilespmem:$0x6E80] =	vst v31  }
0x99: {  	v31 =	vld [tilespmem:s6+$0x80];
	_ =	sdelay $0x4  }
0x9a: {  	s18 =	rddreg [dreg:$0xd];
	[tilespmem:$0x6890] =	vst v31  }
0x9b: {  	v31 =	vld [tilespmem:s18+$0x1400];
	_ =	sdelay $0x4  }
0x9c: {  	[tilespmem:$0x6A10] =	vst v31  }
0x9d: {  	v31 =	vld [tilespmem:s18+$0x2800];
	_ =	sdelay $0x4  }
0x9e: {  	[tilespmem:$0x6B90] =	vst v31  }
0x9f: {  	v31 =	vld [tilespmem:s18+$0x3C00];
	_ =	sdelay $0x4  }
0xa0: {  	[tilespmem:$0x6D10] =	vst v31  }
0xa1: {  	v31 =	vld [tilespmem:s18+$0x5000];
	_ =	sdelay $0x4  }
0xa2: {  	[tilespmem:$0x6E90] =	vst v31  }
0xa3: {  	v31 =	vld [tilespmem:s6+$0x90];
	_ =	sdelay $0x4  }
0xa4: {  	s19 =	rddreg [dreg:$0xe];
	[tilespmem:$0x68A0] =	vst v31  }
0xa5: {  	v31 =	vld [tilespmem:s19+$0x1400];
	_ =	sdelay $0x4  }
0xa6: {  	[tilespmem:$0x6A20] =	vst v31  }
0xa7: {  	v31 =	vld [tilespmem:s19+$0x2800];
	_ =	sdelay $0x4  }
0xa8: {  	[tilespmem:$0x6BA0] =	vst v31  }
0xa9: {  	v31 =	vld [tilespmem:s19+$0x3C00];
	_ =	sdelay $0x4  }
0xaa: {  	[tilespmem:$0x6D20] =	vst v31  }
0xab: {  	v31 =	vld [tilespmem:s19+$0x5000];
	_ =	sdelay $0x4  }
0xac: {  	[tilespmem:$0x6EA0] =	vst v31  }
0xad: {  	v31 =	vld [tilespmem:s6+$0xA0];
	_ =	sdelay $0x4  }
0xae: {  	s20 =	rddreg [dreg:$0xf];
	[tilespmem:$0x68B0] =	vst v31  }
0xaf: {  	v31 =	vld [tilespmem:s20+$0x1400];
	_ =	sdelay $0x4  }
0xb0: {  	[tilespmem:$0x6A30] =	vst v31  }
0xb1: {  	v31 =	vld [tilespmem:s20+$0x2800];
	_ =	sdelay $0x4  }
0xb2: {  	[tilespmem:$0x6BB0] =	vst v31  }
0xb3: {  	v31 =	vld [tilespmem:s20+$0x3C00];
	_ =	sdelay $0x4  }
0xb4: {  	[tilespmem:$0x6D30] =	vst v31  }
0xb5: {  	v31 =	vld [tilespmem:s20+$0x5000];
	_ =	sdelay $0x4  }
0xb6: {  	[tilespmem:$0x6EB0] =	vst v31  }
0xb7: {  	v31 =	vld [tilespmem:s6+$0xB0];
	_ =	sdelay $0x4  }
0xb8: {  	s21 =	rddreg [dreg:$0x10];
	[tilespmem:$0x68C0] =	vst v31  }
0xb9: {  	v31 =	vld [tilespmem:s21+$0x1400];
	_ =	sdelay $0x4  }
0xba: {  	[tilespmem:$0x6A40] =	vst v31  }
0xbb: {  	v31 =	vld [tilespmem:s21+$0x2800];
	_ =	sdelay $0x4  }
0xbc: {  	[tilespmem:$0x6BC0] =	vst v31  }
0xbd: {  	v31 =	vld [tilespmem:s21+$0x3C00];
	_ =	sdelay $0x4  }
0xbe: {  	[tilespmem:$0x6D40] =	vst v31  }
0xbf: {  	v31 =	vld [tilespmem:s21+$0x5000];
	_ =	sdelay $0x4  }
0xc0: {  	[tilespmem:$0x6EC0] =	vst v31  }
0xc1: {  	v31 =	vld [tilespmem:s6+$0xC0];
	_ =	sdelay $0x4  }
0xc2: {  	s22 =	rddreg [dreg:$0x11];
	[tilespmem:$0x68D0] =	vst v31  }
0xc3: {  	v31 =	vld [tilespmem:s22+$0x1400];
	_ =	sdelay $0x4  }
0xc4: {  	[tilespmem:$0x6A50] =	vst v31  }
0xc5: {  	v31 =	vld [tilespmem:s22+$0x2800];
	_ =	sdelay $0x4  }
0xc6: {  	[tilespmem:$0x6BD0] =	vst v31  }
0xc7: {  	v31 =	vld [tilespmem:s22+$0x3C00];
	_ =	sdelay $0x4  }
0xc8: {  	[tilespmem:$0x6D50] =	vst v31  }
0xc9: {  	v31 =	vld [tilespmem:s22+$0x5000];
	_ =	sdelay $0x4  }
0xca: {  	[tilespmem:$0x6ED0] =	vst v31  }
0xcb: {  	v31 =	vld [tilespmem:s6+$0xD0];
	_ =	sdelay $0x4  }
0xcc: {  	s23 =	rddreg [dreg:$0x12];
	[tilespmem:$0x68E0] =	vst v31  }
0xcd: {  	v31 =	vld [tilespmem:s23+$0x1400];
	_ =	sdelay $0x4  }
0xce: {  	[tilespmem:$0x6A60] =	vst v31  }
0xcf: {  	v31 =	vld [tilespmem:s23+$0x2800];
	_ =	sdelay $0x4  }
0xd0: {  	[tilespmem:$0x6BE0] =	vst v31  }
0xd1: {  	v31 =	vld [tilespmem:s23+$0x3C00];
	_ =	sdelay $0x4  }
0xd2: {  	[tilespmem:$0x6D60] =	vst v31  }
0xd3: {  	v31 =	vld [tilespmem:s23+$0x5000];
	_ =	sdelay $0x4  }
0xd4: {  	[tilespmem:$0x6EE0] =	vst v31  }
0xd5: {  	v31 =	vld [tilespmem:s6+$0xE0];
	_ =	sdelay $0x4  }
0xd6: {  	s26 =	rddreg [dreg:$0x14];
	[tilespmem:$0x68F0] =	vst v31  }
0xd7: {  	v31 =	vld [tilespmem:s26+$0x1400];
	_ =	sdelay $0x4  }
0xd8: {  	[tilespmem:$0x6A70] =	vst v31  }
0xd9: {  	v31 =	vld [tilespmem:s26+$0x2800];
	_ =	sdelay $0x4  }
0xda: {  	[tilespmem:$0x6BF0] =	vst v31  }
0xdb: {  	v31 =	vld [tilespmem:s26+$0x3C00];
	_ =	sdelay $0x4  }
0xdc: {  	[tilespmem:$0x6D70] =	vst v31  }
0xdd: {  	v31 =	vld [tilespmem:s26+$0x5000];
	_ =	sdelay $0x4  }
0xde: {  	[tilespmem:$0x6EF0] =	vst v31  }
0xdf: {  	v31 =	vld [tilespmem:s6+$0xF0];
	_ =	sdelay $0x4  }
0xe0: {  	s28 =	rddreg [dreg:$0x15];
	[tilespmem:$0x6900] =	vst v31  }
0xe1: {  	v31 =	vld [tilespmem:s28+$0x1400];
	_ =	sdelay $0x4  }
0xe2: {  	[tilespmem:$0x6A80] =	vst v31  }
0xe3: {  	v31 =	vld [tilespmem:s28+$0x2800];
	_ =	sdelay $0x4  }
0xe4: {  	[tilespmem:$0x6C00] =	vst v31  }
0xe5: {  	v31 =	vld [tilespmem:s28+$0x3C00];
	_ =	sdelay $0x4  }
0xe6: {  	[tilespmem:$0x6D80] =	vst v31  }
0xe7: {  	v31 =	vld [tilespmem:s28+$0x5000];
	_ =	sdelay $0x4  }
0xe8: {  	[tilespmem:$0x6F00] =	vst v31  }
0xe9: {  	v31 =	vld [tilespmem:s6+$0x100];
	_ =	sdelay $0x4  }
0xea: {  	s29 =	rddreg [dreg:$0x16];
	[tilespmem:$0x6910] =	vst v31  }
0xeb: {  	v31 =	vld [tilespmem:s29+$0x1400];
	_ =	sdelay $0x4  }
0xec: {  	[tilespmem:$0x6A90] =	vst v31  }
0xed: {  	v31 =	vld [tilespmem:s29+$0x2800];
	_ =	sdelay $0x4  }
0xee: {  	[tilespmem:$0x6C10] =	vst v31  }
0xef: {  	v31 =	vld [tilespmem:s29+$0x3C00];
	_ =	sdelay $0x4  }
0xf0: {  	[tilespmem:$0x6D90] =	vst v31  }
0xf1: {  	v31 =	vld [tilespmem:s29+$0x5000];
	_ =	sdelay $0x4  }
0xf2: {  	[tilespmem:$0x6F10] =	vst v31  }
0xf3: {  	v31 =	vld [tilespmem:s6+$0x110];
	_ =	sdelay $0x4  }
0xf4: {  	s30 =	rddreg [dreg:$0x17];
	[tilespmem:$0x6920] =	vst v31  }
0xf5: {  	v31 =	vld [tilespmem:s30+$0x1400];
	_ =	sdelay $0x4  }
0xf6: {  	[tilespmem:$0x6AA0] =	vst v31  }
0xf7: {  	v31 =	vld [tilespmem:s30+$0x2800];
	_ =	sdelay $0x4  }
0xf8: {  	[tilespmem:$0x6C20] =	vst v31  }
0xf9: {  	v31 =	vld [tilespmem:s30+$0x3C00];
	_ =	sdelay $0x4  }
0xfa: {  	[tilespmem:$0x6DA0] =	vst v31  }
0xfb: {  	v31 =	vld [tilespmem:s30+$0x5000];
	_ =	sdelay $0x4  }
0xfc: {  	[tilespmem:$0x6F20] =	vst v31  }
0xfd: {  	v31 =	vld [tilespmem:s6+$0x120];
	_ =	sdelay $0x4  }
0xfe: {  	s31 =	rddreg [dreg:$0x18];
	[tilespmem:$0x6930] =	vst v31  }
0xff: {  	v31 =	vld [tilespmem:s31+$0x1400];
	_ =	sdelay $0x4  }
0x100: {  	[tilespmem:$0x6AB0] =	vst v31  }
0x101: {  	v31 =	vld [tilespmem:s31+$0x2800];
	_ =	sdelay $0x4  }
0x102: {  	[tilespmem:$0x6C30] =	vst v31  }
0x103: {  	v31 =	vld [tilespmem:s31+$0x3C00];
	_ =	sdelay $0x4  }
0x104: {  	[tilespmem:$0x6DB0] =	vst v31  }
0x105: {  	v31 =	vld [tilespmem:s31+$0x5000];
	_ =	sdelay $0x4  }
0x106: {  	[tilespmem:$0x6F30] =	vst v31  }
0x107: {  	v31 =	vld [tilespmem:s6+$0x130];
	_ =	sdelay $0x3  }
0x108: {  	v46 =	vld [tilespmem:$0x6400]  }
0x109: {  	v47 =	vld [tilespmem:$0x6410];
	[tilespmem:$0x6940] =	vst v31  }
0x10a: {  	v31 =	vld [tilespmem:s0+$0x1400]  }
0x10b: {  	v48 =	vld [tilespmem:$0x6420]  }
0x10c: {  	v35 =	vld [tilespmem:$0x6430]  }
0x10d: {  	v36 =	vld [tilespmem:$0x6440]  }
0x10e: {  	v37 =	vld [tilespmem:$0x6450]  }
0x10f: {  	v49 =	vld [tilespmem:$0x6460];
	[tilespmem:$0x6AC0] =	vst v31  }
0x110: {  	v31 =	vld [tilespmem:s0+$0x2800]  }
0x111: {  	v33 =	vimm.f32 @!p0 $0.0e+00;
	v50 =	vld [tilespmem:$0x6470];
	vm2 =	vgt.f32 v47, v46;
	v32 =	vmax.f32 v47, v46  }
0x112: {  	v51 =	vld [tilespmem:$0x6480];
	v38 =	vsel vm2, v4, v2;
	vm2 =	vgt.f32 v48, v32;
	v32 =	vmax.f32 v48, v32  }
0x113: {  	v52 =	vld [tilespmem:$0x6490];
	v38 =	vsel vm2, v5, v38;
	vm2 =	vgt.f32 v35, v32;
	v32 =	vmax.f32 v35, v32  }
0x114: {  	v53 =	vld [tilespmem:$0x64A0];
	v38 =	vsel vm2, v6, v38;
	vm2 =	vgt.f32 v36, v32;
	v32 =	vmax.f32 v36, v32  }
0x115: {  	v54 =	vld [tilespmem:$0x64B0];
	v38 =	vsel vm2, v7, v38;
	vm2 =	vgt.f32 v37, v32;
	v32 =	vmax.f32 v37, v32;
	[tilespmem:$0x6C40] =	vst v31  }
0x116: {  	v38 =	vsel vm2, v8, v38;
	vm2 =	vgt.f32 v49, v32;
	v32 =	vmax.f32 v49, v32;
	v31 =	vld [tilespmem:s0+$0x3C00]  }
0x117: {  	v55 =	vld [tilespmem:$0x64C0];
	v38 =	vsel vm2, v9, v38;
	vm2 =	vgt.f32 v50, v32;
	v32 =	vmax.f32 v50, v32  }
0x118: {  	v56 =	vld [tilespmem:$0x64D0];
	v38 =	vsel vm2, v10, v38;
	vm2 =	vgt.f32 v51, v32;
	v32 =	vmax.f32 v51, v32  }
0x119: {  	v57 =	vld [tilespmem:$0x64E0];
	v38 =	vsel vm2, v11, v38;
	vm2 =	vgt.f32 v52, v32;
	v32 =	vmax.f32 v52, v32  }
0x11a: {  	v58 =	vld [tilespmem:$0x64F0];
	v38 =	vsel vm2, v12, v38;
	vm2 =	vgt.f32 v53, v32;
	v32 =	vmax.f32 v53, v32  }
0x11b: {  	v59 =	vld [tilespmem:$0x6500];
	[tilespmem:$0x6DC0] =	vst v31;
	v31 =	vsel vm2, v13, v38;
	vm2 =	vgt.f32 v54, v32;
	v32 =	vmax.f32 v54, v32  }
0x11c: {  	v61 =	vld [tilespmem:$0x6510];
	v31 =	vsel vm2, v14, v31;
	vm2 =	vgt.f32 v55, v32;
	v32 =	vmax.f32 v55, v32  }
0x11d: {  	v62 =	vld [tilespmem:$0x6520];
	v31 =	vsel vm2, v15, v31;
	vm2 =	vgt.f32 v56, v32;
	v32 =	vmax.f32 v56, v32  }
0x11e: {  	v63 =	vld [tilespmem:$0x6530];
	v31 =	vsel vm2, v16, v31;
	vm2 =	vgt.f32 v57, v32;
	v32 =	vmax.f32 v57, v32  }
0x11f: {  	v31 =	vsel vm2, v17, v31;
	vm2 =	vgt.f32 v58, v32;
	v32 =	vmax.f32 v58, v32  }
0x120: {  	v31 =	vsel vm2, v18, v31;
	vm2 =	vgt.f32 v59, v32;
	v32 =	vmax.f32 v59, v32  }
0x121: {  	v60 =	vld [tilespmem:s0+$0x5000];
	[tilespmem:$0x6690] =	vst @!p0 v33;
	v31 =	vsel vm2, v20, v31;
	vm2 =	vgt.f32 v61, v32;
	v32 =	vmax.f32 v61, v32  }
0x122: {  	[tilespmem:$0x66A0] =	vst @!p0 v33;
	v31 =	vsel vm2, v21, v31;
	vm2 =	vgt.f32 v62, v32;
	v32 =	vmax.f32 v62, v32  }
0x123: {  	[tilespmem:$0x66B0] =	vst @!p0 v33;
	v31 =	vsel vm2, v24, v31;
	vm2 =	vgt.f32 v63, v32  }
0x124: {  	[tilespmem:$0x66C0] =	vst @!p0 v33;
	v31 =	vsel vm2, v25, v31  }
0x125: {  	[tilespmem:$0x66D0] =	vst @!p0 v33;
	v32 =	vmax.f32 v63, v32;
	v31 =	vadd.s32 v0, v31  }
0x126: {  	[tilespmem:$0x66E0] =	vst @!p0 v33;
	(xrf1) =	vsort.dscd.msk.f32 $0xffff, v32, v31  }
0x127: {  	[tilespmem:$0x66F0] =	vst @!p0 v33  }
0x128: {  	[tilespmem:$0x6700] =	vst @!p0 v33  }
0x129: {  	[tilespmem:$0x6710] =	vst @!p0 v33  }
0x12a: {  	[tilespmem:$0x6720] =	vst @!p0 v33  }
0x12b: {  	[tilespmem:$0x6730] =	vst @!p0 v33  }
0x12c: {  	[tilespmem:$0x6740] =	vst @!p0 v33  }
0x12d: {  	[tilespmem:$0x6750] =	vst @!p0 v33  }
0x12e: {  	[tilespmem:$0x6760] =	vst @!p0 v33  }
0x12f: {  	[tilespmem:$0x6770] =	vst @!p0 v33  }
0x130: {  	[tilespmem:$0x6780] =	vst @!p0 v33  }
0x131: {  	[tilespmem:$0x6790] =	vst @!p0 v33  }
0x132: {  	[tilespmem:$0x67A0] =	vst @!p0 v33  }
0x133: {  	[tilespmem:$0x67B0] =	vst @!p0 v33  }
0x134: {  	s15 =	simm.s32 $0x0;
	[tilespmem:$0x6F40] =	vst v60;
	v32, v31, _ =	vpop (xrf1)  }
.LBB2_4:
0x135: {  	_ =	sdelay $0x1  }
0x136: {  	[tilespmem:$0x6580] =	vst v32  }
0x137: {  	[tilespmem:$0x6590] =	vst v31  }
0x138: {  	v31 =	vld.idx.msk [tilespmem:v22+s9+$0x0], $0xffff;
	_ =	sdelay $0x1  }
0x139: {  	s14 =	sadd.s32 $0x1, s15  }
0x13a: {  	s16 =	sshll.u32 s15, $0x7;
	s17 =	scvt.s32.f32 s14  }
0x13b: {  	s16 =	sand.u32 $0x80, s16  }
0x13c: {  	s16 =	sadd.s32 s16, s2;
	v31 =	vsel vm0, s17, v31  }
0x13d: {  	s18 =	sadd.s32 s25, s16;
	[tilespmem:$0x6580] =	vst v31  }
0x13e: {  	[spmem:s18] =	stream.linear.scatter [tilespmem:s9], [sflag:$0x1], $0x8, $0x38;
	[tilespmem:$0x6F90] =	vst v63  }
0x13f: {  	_ =	swait.ge [sflag:s3], $0x8  }
0x140: {  	[sflag:s3] =	ssyncset.done $0x0  }
0x141: {  	v31 =	vmov s17;
	s17 =	simm.s32 $0x0;
	[sflag:s3] =	ssyncadd.s32 $0xFFFFFFF8  }
.LBB2_5:
0x142: {  	[tilespmem:s10], [sflag:$0x1] =	stream.linear.gather [spmem:s16], $0x80, $0x38;
	[tilespmem:$0x6F90] =	vst v63  }
0x143: {  	_ =	swait.ge [sflag:s3], $0x80  }
0x144: {  	[sflag:s3] =	ssyncset.done $0x0  }
0x145: {  	[sflag:s3] =	ssyncadd.s32 $0xFFFFFF80  }
0x146: {  	v32 =	vld.idx.msk [tilespmem:v23+s10+$0x0], $0xffff  }
0x147: {  	v33 =	vld.idx.msk [tilespmem:v26+s10+$0x0], $0xffff;
	_ =	sdelay $0x4  }
0x148: {  	vm2 =	veq.f32 v32, v31;
	vm3 =	veq.f32 v33, v31  }
0x149: {  	vm2 =	vmand vm2, vm3  }
0x14a: {  	v63 =	vsel vm2, $0x1, v19  }
0x14b: {  	v32 =	vor.u32 $0x80000000, v63  }
0x14c: {  	(xrf0) =	vmin.scan.msk.u32 $0xffff, v32;
	_ =	sdelay $0x5  }
0x14d: {  	v32, _, _ =	vpop (xrf0)  }
0x14e: {  	(v2sf) =	vpush v32, $0xF;
	_ =	sdelay $0xe  }
0x14f: {  	p1 =	sgt.u32 s17, $0x270E;
	s18 =	spop (v2sf)  }
0x150: {  	p2 =	seq.s32 @!p1 s18, $0x80000000  }
0x151: {  	p1 =	por p1, !p2  }
.Ltmp3:
0x152: {  	_ = 	snop;
	(pc) =	sbr.rel @!p1 .LBB2_5-.Ltmp3, $2  }
0x153: {  	_ =	sdelay $0x2  }
0x154: {  	s17 =	sadd.s32 $0x1, s17  }
0x155: {  	_ =	sdelay $0x3  }
0x156: {  	v31 =	vld.idx.msk [tilespmem:v27+s10+$0x0], $0xffff  }
0x157: {  	v32 =	vld.idx.msk [tilespmem:v28+s10+$0x0], $0xffff;
	_ =	sdelay $0x4  }
0x158: {  	(xrf1) =	vsort.dscd.msk.f32 $0xffff, v31, v32;
	_ =	sdelay $0xd  }
0x159: {  	v31, v32, _ =	vpop (xrf1)  }
0x15a: {  	[tilespmem:$0x6580] =	vst v31  }
0x15b: {  	[tilespmem:$0x6590] =	vst v32  }
0x15c: {  	v35 =	vld.idx.msk [tilespmem:v29+s9+$0x0], $0xffff;
	_ =	sdelay $0x4  }
0x15d: {  	vm2 =	vge.s32 v35, v0;
	vm3 =	vgt.s32 v1, v35  }
0x15e: {  	s16 =	simm.s32 @!p0 $0x6580;
	vm2 =	vmand vm2, vm3  }
0x15f: {  	v32 =	vmov @!p0 s15;
	v31 =	vld.msk @!p0 [tilespmem:s16+$0x0], $0xffff;
	vm2 =	vmand vm2, vm1  }
0x160: {  	v33 =	vsub.s32 v35, v0;
	_ =	sdelay $0x2  }
0x161: {  	s15 =	simm.s32 @!p0 $0x6690  }
0x162: {  	[tilespmem:v32+s15+$0x0] =	vst.idx.msk @!p0 $0x1, v31  }
0x163: {  	s15 =	simm.s32 $0x0;
	[tilespmem:v33+s8+$0x0] =	vst.idx.msk vm2, v30  }
0x164: {  	v31 =	vld.idx.msk [tilespmem:v35+s15+$0x0], $0xffff  }
0x165: {  	v32 =	vld.idx.msk [tilespmem:v35+s1+$0x0], $0xffff  }
0x166: {  	v33 =	vld.idx.msk [tilespmem:v35+s5+$0x0], $0xffff  }
0x167: {  	v34 =	vld.idx.msk [tilespmem:v35+s7+$0x0], $0xffff  }
0x168: {  	s23 =	simm.s32 $0x69B0;
	v35 =	vld.idx.msk [tilespmem:v35+s24+$0x0], $0xffff  }
0x169: {  	s17 =	simm.s32 $0x6E30;
	v36 =	vld [tilespmem:s23+$0xFFFFFFE0]  }
0x16a: {  	s18 =	simm.s32 $0x6CB0;
	v37 =	vld [tilespmem:s17+$0x10]  }
0x16b: {  	s19 =	simm.s32 $0x6B30;
	v38 =	vld [tilespmem:s18+$0x10]  }
0x16c: {  	v39 =	vld [tilespmem:s19+$0x10]  }
0x16d: {  	s20 =	simm.s32 $0x6830;
	v40 =	vld [tilespmem:s23+$0x10]  }
0x16e: {  	v41 =	vld [tilespmem:s20+$0x10]  }
0x16f: {  	v42 =	vld [tilespmem:s17+$0xFFFFFFE0]  }
0x170: {  	v43 =	vld [tilespmem:s18+$0x0]  }
0x171: {  	v44 =	vld [tilespmem:s19+$0x0]  }
0x172: {  	v45 =	vld [tilespmem:s20+$0xFFFFFFF0]  }
0x173: {  	v46 =	vld [tilespmem:s20+$0x0]  }
0x174: {  	v47 =	vld [tilespmem:s19+$0xFFFFFFE0]  }
0x175: {  	v48 =	vld [tilespmem:s23+$0x0]  }
0x176: {  	v49 =	vld [tilespmem:s19+$0xFFFFFFF0]  }
0x177: {  	v50 =	vld [tilespmem:s20+$0xFFFFFFE0]  }
0x178: {  	v61 =	vld [tilespmem:s18+$0xFFFFFFE0]  }
0x179: {  	v51 =	vld [tilespmem:s17+$0x0]  }
0x17a: {  	v62 =	vld [tilespmem:s23+$0xFFFFFFF0];
	v40 =	vmax.f32 v40, v32;
	v38 =	vmin.f32 v38, v34;
	v36 =	vmax.f32 v36, v32  }
0x17b: {  	v52 =	vld [tilespmem:s18+$0xFFFFFFF0];
	v39 =	vmin.f32 v39, v33;
	v41 =	vmax.f32 v41, v31;
	v43 =	vmin.f32 v43, v34  }
0x17c: {  	s31 =	simm.s32 $0x6CF0;
	v63 =	vld [tilespmem:s17+$0xFFFFFFF0];
	v37 =	vadd.f32 v37, v35;
	v46 =	vmax.f32 v46, v31;
	v44 =	vmin.f32 v44, v33  }
0x17d: {  	v54 =	vld [tilespmem:s31+$0x0];
	v42 =	vadd.f32 v42, v35;
	v45 =	vmax.f32 v45, v31;
	v47 =	vmin.f32 v47, v33  }
0x17e: {  	v50 =	vmax.f32 v50, v31;
	v56 =	vmin.f32 v49, v33;
	v60 =	vadd.f32 v51, v35  }
0x17f: {  	s21 =	simm.s32 $0x6B70;
	v57 =	vmax.f32 v48, v32;
	v38 =	vsub.f32 v38, v40;
	v39 =	vsub.f32 v39, v41  }
0x180: {  	v55 =	vld [tilespmem:s21+$0x0];
	v44 =	vsub.f32 v44, v46;
	v40 =	vmin.f32 v61, v34;
	v47 =	vsub.f32 v47, v50  }
0x181: {  	s22 =	simm.s32 $0x6870;
	v48 =	vld [tilespmem:s31+$0x10];
	v41 =	vmax.f32 v62, v32;
	v61 =	vmin.f32 v52, v34;
	v46 =	vadd.f32 v63, v35  }
0x182: {  	s30 =	simm.s32 $0x6E70;
	v49 =	vld [tilespmem:s22+$0x10];
	v54 =	vmin.f32 v54, v34;
	v36 =	vsub.f32 v40, v36;
	v41 =	vsub.f32 v61, v41  }
0x183: {  	v52 =	vld [tilespmem:s30+$0xFFFFFFE0];
	v38 =	vmax.f32 v38, $0.0e+00;
	v39 =	vmax.f32 v39, $0.0e+00;
	v58 =	vmax.f32 v47, $0.0e+00  }
0x184: {  	v40 =	vld [tilespmem:s30+$0x10];
	v44 =	vmax.f32 v44, $0.0e+00;
	v50 =	vmul.f32 v38, v39;
	v39 =	vsub.f32 v43, v57  }
0x185: {  	v63 =	vld [tilespmem:s22+$0x0];
	v36 =	vmax.f32 v36, $0.0e+00;
	v38 =	vsub.f32 v56, v45;
	v41 =	vmax.f32 v41, $0.0e+00  }
0x186: {  	s26 =	simm.s32 $0x69F0;
	v47 =	vld [tilespmem:s21+$0x10];
	v43 =	vmul.f32 v36, v58;
	v36 =	vimm.f32 $-2.000000000e+00;
	v48 =	vmin.f32 v48, v34  }
0x187: {  	v45 =	vld [tilespmem:s26+$0x10];
	v61 =	vmax.f32 v49, v31;
	v59 =	vmax.f32 v39, $0.0e+00;
	v62 =	vsub.f32 v37, v50  }
0x188: {  	v56 =	vld [tilespmem:s22+$0xFFFFFFF0];
	v38 =	vmax.f32 v38, $0.0e+00;
	v52 =	vadd.f32 v52, v35;
	v44 =	vmul.f32 v59, v44  }
0x189: {  	v49 =	vld [tilespmem:s22+$0xFFFFFFE0];
	v42 =	vsub.f32 v42, v43;
	v41 =	vmul.f32 v41, v38;
	v40 =	vadd.f32 v40, v35  }
0x18a: {  	v53 =	vld [tilespmem:s26+$0xFFFFFFE0];
	v38 =	vmax.f32 v63, v31;
	v63 =	vmin.f32 v55, v33;
	v51 =	vadd.f32 $9.999999710e-10, v62  }
0x18b: {  	v57 =	vld [tilespmem:s21+$0xFFFFFFF0];
	v47 =	vmin.f32 v47, v33;
	v39 =	vsub.f32 v60, v44;
	v42 =	vadd.f32 $9.999999710e-10, v42  }
0x18c: {  	v62 =	vld [tilespmem:s31+$0xFFFFFFE0];
	v45 =	vmax.f32 v45, v32;
	v46 =	vsub.f32 v46, v41;
	v47 =	vsub.f32 v47, v61  }
0x18d: {  	v60 =	vld [tilespmem:s26+$0x0];
	v55 =	vmax.f32 v56, v31;
	v45 =	vsub.f32 v48, v45;
	(erf) = vrcp.f32 v42  }
0x18e: {  	v58 =	vld [tilespmem:s26+$0xFFFFFFF0];
	v49 =	vmax.f32 v49, v31;
	v42 =	vadd.f32 $9.999999710e-10, v39;
	v46 =	vadd.f32 $9.999999710e-10, v46  }
0x18f: {  	v39 =	vmax.f32 v53, v32;
	v47 =	vmax.f32 v47, $0.0e+00;
	(erf) = vrcp.f32 v51;
	v51 =	vld [tilespmem:s21+$0xFFFFFFE0]  }
0x190: {  	v61 =	vld [tilespmem:s31+$0xFFFFFFF0];
	v45 =	vmax.f32 v45, $0.0e+00;
	(erf) = vrcp.f32 v46;
	v46 =	vsub.f32 v63, v38  }
0x191: {  	v38 =	vmul.f32 v45, v47;
	v48 =	vmin.f32 v62, v34;
	v63 =	vmin.f32 v57, v33  }
0x192: {  	v56 =	vld [tilespmem:s30+$0x0];
	v59 =	vmax.f32 v60, v32;
	v39 =	vsub.f32 v48, v39;
	v48 =	vsub.f32 v63, v55  }
0x193: {  	(erf) = vrcp.f32 v42;
	v45 =	vsub.f32 v54, v59;
	v46 =	vmax.f32 v46, $0.0e+00  }
0x194: {  	v59 =	vmax.f32 v58, v32;
	v63 =	vsub.f32 v40, v38;
	v60 =	vmin.f32 v51, v33  }
0x195: {  	v57 =	vld [tilespmem:s30+$0xFFFFFFF0];
	s30 =	simm.s32 $0x6BB0;
	v39 =	vmax.f32 v39, $0.0e+00;
	v51 =	vmin.f32 v61, v34;
	v47 =	vsub.f32 v60, v49  }
0x196: {  	s26 =	simm.s32 $0x6D30;
	v42 =	vld [tilespmem:s30+$0x10];
	v48 =	vmax.f32 v48, $0.0e+00;
	v45 =	vmax.f32 v45, $0.0e+00;
	v61 =	vsub.f32 v51, v59;
	v62 =	vpop (erf)  }
0x197: {  	s23 =	simm.s32 $0x6A30;
	v58 =	vld [tilespmem:s26+$0x0];
	v49 =	vadd.f32 v56, v35;
	v47 =	vmax.f32 v47, $0.0e+00;
	v43 =	vmul.f32 v62, v43  }
0x198: {  	v47 =	vmul.f32 v39, v47;
	v39 =	vmul.f32 v45, v46;
	v45 =	vld [tilespmem:s23+$0xFFFFFFE0];
	v46 =	vmax.f32 v61, $0.0e+00  }
0x199: {  	v37 =	vimm.s32 $0x0;
	v54 =	vadd.f32 $9.999999710e-10, v63;
	v55 =	vpop (erf);
	v61 =	vld [tilespmem:s23+$0x10];
	v48 =	vmul.f32 v46, v48  }
0x19a: {  	v60 =	vpop (erf);
	v46 =	vld [tilespmem:s30+$0x0];
	v43 =	vmul.f32 v43, v43;
	v62 =	vsub.f32 v52, v47;
	v59 =	vsub.f32 v49, v39  }
0x19b: {  	s31 =	simm.s32 $0x68B0;
	v53 =	vadd.f32 v57, v35;
	v42 =	vmin.f32 v42, v33;
	v52 =	vld [tilespmem:s26+$0x10];
	v41 =	vmul.f32 v60, v41  }
0x19c: {  	v49 =	vld [tilespmem:s31+$0x10];
	v43 =	vmul.f32 $-2.000000000e+00, v43;
	v60 =	vadd.f32 $9.999999710e-10, v62;
	v40 =	vadd.f32 $9.999999710e-10, v59  }
0x19d: {  	s20 =	simm.s32 $0x6EB0;
	v41 =	vmul.f32 v41, v41;
	v62 =	vmul.f32 v55, v50;
	v50 =	vmin.f32 v58, v34  }
0x19e: {  	v56 =	vld [tilespmem:s20+$0x10];
	v57 =	vmax.f32 v45, v32;
	v59 =	vmax.f32 v61, v32;
	v43 =	vmul.f32 $1.442695020e+00, v43  }
0x19f: {  	v63 =	vld [tilespmem:s20+$0xFFFFFFE0];
	v61 =	vpop (erf);
	(erf) = vrcp.f32 v60;
	v45 =	vmul.f32 v62, v62;
	v62 =	vsub.f32 v53, v48  }
0x1a0: {  	v58 =	vld [tilespmem:s30+$0xFFFFFFF0];
	v44 =	vmul.f32 v61, v44;
	v41 =	vmul.f32 $-2.000000000e+00, v41;
	v46 =	vmin.f32 v46, v33  }
0x1a1: {  	v53 =	vld [tilespmem:s31+$0x0];
	(erf) = vrcp.f32 v54;
	v60 =	vmin.f32 v52, v34;
	v49 =	vmax.f32 v49, v31  }
0x1a2: {  	v52 =	vld [tilespmem:s31+$0xFFFFFFF0];
	(erf) = vpow2.f32 v43;
	v43 =	vsub.f32 v60, v59;
	v51 =	vadd.f32 $9.999999710e-10, v62  }
0x1a3: {  	v54 =	vld [tilespmem:s23+$0x0];
	v45 =	vmul.f32 $-2.000000000e+00, v45;
	v42 =	vsub.f32 v42, v49;
	v49 =	vadd.f32 v56, v35  }
0x1a4: {  	v56 =	vld [tilespmem:s30+$0xFFFFFFE0];
	v59 =	vmul.f32 $1.442695020e+00, v41;
	v60 =	vadd.f32 v63, v35;
	v41 =	vmul.f32 v44, v44  }
0x1a5: {  	v61 =	vld [tilespmem:s20+$0x0];
	v43 =	vmax.f32 v43, $0.0e+00;
	(erf) = vrcp.f32 v51;
	v42 =	vmax.f32 v42, $0.0e+00  }
0x1a6: {  	v51 =	vld [tilespmem:s31+$0xFFFFFFE0];
	v45 =	vmul.f32 $1.442695020e+00, v45;
	v62 =	vmul.f32 $-2.000000000e+00, v41;
	v53 =	vmax.f32 v53, v31  }
0x1a7: {  	v41 =	vmul.f32 v43, v42;
	v43 =	vmin.f32 v58, v33;
	v44 =	vmax.f32 v52, v31;
	v52 =	vld [tilespmem:s26+$0xFFFFFFE0]  }
0x1a8: {  	v42 =	vld [tilespmem:s23+$0xFFFFFFF0];
	v46 =	vsub.f32 v46, v53;
	v63 =	vmax.f32 v54, v32;
	(erf) = vpow2.f32 v45  }
0x1a9: {  	s16 =	simm.s32 $0x6420;
	v54 =	vld [tilespmem:s26+$0xFFFFFFF0];
	v56 =	vmin.f32 v56, v33;
	v50 =	vsub.f32 v50, v63;
	v55 =	vpop (erf);
	(erf) = vpow2.f32 v59  }
0x1aa: {  	v58 =	vld [tilespmem:s16+$0xFFFFFFE0];
	v45 =	vsub.f32 v43, v44;
	v47 =	vmul.f32 v55, v47;
	v55 =	vmul.f32 $1.442695020e+00, v62  }
0x1ab: {  	v53 =	vsub.f32 v49, v41;
	v46 =	vmax.f32 v46, $0.0e+00;
	v62 =	vmax.f32 v51, v31  }
0x1ac: {  	v59 =	vmax.f32 v50, $0.0e+00;
	v44 =	vpop (erf);
	v63 =	vmin.f32 v52, v34;
	(erf) = vpow2.f32 v55  }
0x1ad: {  	v50 =	vadd.f32 v61, v35;
	v42 =	vmax.f32 v42, v32;
	v56 =	vsub.f32 v56, v62;
	v55 =	vld [tilespmem:s20+$0xFFFFFFF0]  }
0x1ae: {  	v43 =	vmul.f32 v59, v46;
	v54 =	vmin.f32 v54, v34;
	v51 =	vsub.f32 v63, v57;
	v62 =	vpop (erf)  }
0x1af: {  	v57 =	vsub.f32 v54, v42;
	v54 =	vld [tilespmem:s16+$0xFFFFFFF0];
	v52 =	vmax.f32 v56, $0.0e+00;
	v63 =	vpop (erf);
	v46 =	vmul.f32 v62, v58  }
0x1b0: {  	v61 =	vmax.f32 v51, $0.0e+00;
	v62 =	vsub.f32 v50, v43;
	v48 =	vmul.f32 v63, v48  }
0x1b1: {  	s28 =	simm.s32 $0x6A70;
	s29 =	simm.s32 $0x6BF0;
	s19 =	simm.s32 $0x40;
	v50 =	vld [tilespmem:s16+$0x0];
	v63 =	vmul.f32 v47, v47;
	v42 =	vmul.f32 v61, v52;
	v52 =	vmax.f32 v57, $0.0e+00  }
0x1b2: {  	s17 =	simm.s32 $0x80;
	s18 =	simm.s32 $0x6460;
	s22 =	simm.s32 $0xC0;
	v51 =	vld [tilespmem:s16+$0x10];
	v47 =	vpop (erf);
	vm2 =	vgt.f32 v46, v36;
	v49 =	vadd.f32 v55, v35;
	v55 =	vadd.f32 $9.999999710e-10, v62  }
0x1b3: {  	s21 =	simm.s32 $0x6460;
	s23 =	simm.s32 $0x6D70;
	s26 =	simm.s32 $0x68F0;
	[tilespmem:s16+$0xFFFFFFE0] =	vst v46;
	v48 =	vmul.f32 v48, v48;
	v57 =	vsub.f32 v60, v42;
	v58 =	vmul.f32 $-2.000000000e+00, v63;
	v56 =	vpop (erf)  }
.LBB2_7:
0x1b4: {  	v59 =	vld [tilespmem:s28+$0xFFFFFFE0];
	p1 =	slt.u32 s22, $0x100;
	s20 =	sadd.s32 $0x40, s20;
	s21 =	sadd.s32 $0x40, s21;
	(erf) = vrcp.f32 v40;
	v54 =	vmul.f32 v56, v54;
	v40 =	vmovc v55;
	v37 =	vsel vm2, s15, v37  }
0x1b5: {  	v36 =	vmax.f32 v46, v36;
	s30 =	smov.u32 s22;
	s22 =	sadd.s32 $0x40, s22;
	v53 =	vadd.f32 $9.999999710e-10, v53;
	v55 =	vld [tilespmem:s20+$0x10];
	v56 =	vmul.f32 $1.442695020e+00, v58;
	v46 =	vpop (erf)  }
0x1b6: {  	s31 =	sadd.s32 $0x10, s15;
	v57 =	vadd.f32 $9.999999710e-10, v57;
	v58 =	vld [tilespmem:s23+$0x10];
	[tilespmem:s16+$0xFFFFFFF0] =	vst v54;
	vm2 =	vgt.f32 v54, v36;
	v46 =	vmul.f32 v46, v50  }
0x1b7: {  	v36 =	vmax.f32 v54, v36;
	v50 =	vld [tilespmem:s29+$0x10];
	v37 =	vsel vm2, s31, v37;
	v47 =	vmul.f32 v47, v51  }
0x1b8: {  	s31 =	sadd.s32 $0x20, s15;
	v51 =	vld [tilespmem:s28+$0x10];
	(erf) = vrcp.f32 v57;
	[tilespmem:s16+$0x0] =	vst v46;
	vm2 =	vgt.f32 v46, v36;
	v36 =	vmax.f32 v46, v36  }
0x1b9: {  	v44 =	vmul.f32 v44, v38;
	v46 =	vmax.f32 v59, v32;
	v54 =	vld [tilespmem:s26+$0x10];
	v37 =	vsel vm2, s31, v37;
	[tilespmem:s16+$0x10] =	vst v47;
	s16 =	smov.u32 s18;
	s18 =	smov.u32 s21  }
0x1ba: {  	v38 =	vmovc v41;
	v45 =	vmax.f32 v45, $0.0e+00;
	vm2 =	vgt.f32 v47, v36;
	s31 =	sadd.s32 $0x30, s15;
	v36 =	vmax.f32 v47, v36;
	s15 =	smov.u32 s19;
	s19 =	smov.u32 s17;
	v57 =	vld [tilespmem:s20+$0xFFFFFFE0]  }
0x1bb: {  	v52 =	vmul.f32 v52, v45;
	s17 =	smov.u32 s30;
	v37 =	vsel vm2, s31, v37;
	v41 =	vld [tilespmem:s23+$0x0];
	(erf) = vrcp.f32 v53  }
0x1bc: {  	v44 =	vmul.f32 v44, v44;
	v47 =	vld [tilespmem:s29+$0x0];
	v50 =	vmin.f32 v50, v33;
	(erf) = vpow2.f32 v56  }
0x1bd: {  	v49 =	vsub.f32 v49, v52;
	v53 =	vmin.f32 v58, v34;
	v45 =	vld [tilespmem:s26+$0xFFFFFFF0];
	v51 =	vmax.f32 v51, v32;
	v56 =	vpop (erf)  }
0x1be: {  	v48 =	vmul.f32 $-2.000000000e+00, v48;
	v58 =	vld [tilespmem:s26+$0x0];
	v51 =	vsub.f32 v53, v51;
	v53 =	vmul.f32 v56, v39;
	v39 =	vmovc v43  }
0x1bf: {  	v44 =	vmul.f32 $-2.000000000e+00, v44;
	v49 =	vadd.f32 $9.999999710e-10, v49;
	v54 =	vmax.f32 v54, v31;
	v43 =	vld [tilespmem:s29+$0xFFFFFFE0]  }
0x1c0: {  	v50 =	vsub.f32 v50, v54;
	v56 =	vld [tilespmem:s28+$0x0];
	v59 =	vmin.f32 v41, v34;
	v41 =	vmax.f32 v51, $0.0e+00  }
0x1c1: {  	v48 =	vmul.f32 $1.442695020e+00, v48;
	v54 =	vadd.f32 v55, v35;
	v57 =	vadd.f32 v57, v35;
	v51 =	vld [tilespmem:s29+$0xFFFFFFF0];
	v55 =	vpop (erf)  }
0x1c2: {  	v50 =	vmax.f32 v50, $0.0e+00;
	v60 =	vld [tilespmem:s26+$0xFFFFFFE0];
	(erf) = vrcp.f32 v49;
	v49 =	vmul.f32 v53, v53  }
0x1c3: {  	v61 =	vmul.f32 $1.442695020e+00, v44;
	v45 =	vmax.f32 v45, v31;
	v53 =	vld [tilespmem:s23+$0xFFFFFFE0]  }
0x1c4: {  	v47 =	vmin.f32 v47, v33;
	v58 =	vmax.f32 v58, v31;
	v62 =	vld [tilespmem:s20+$0x0];
	v44 =	vpop (erf);
	v49 =	vmul.f32 $-2.000000000e+00, v49  }
0x1c5: {  	v41 =	vmul.f32 v41, v50;
	v42 =	vmul.f32 v55, v42;
	v47 =	vsub.f32 v47, v58;
	v63 =	vld [tilespmem:s28+$0xFFFFFFF0];
	v50 =	vpop (erf)  }
0x1c6: {  	v56 =	vmax.f32 v56, v32;
	v55 =	vld [tilespmem:s23+$0xFFFFFFF0];
	v51 =	vmin.f32 v51, v33;
	v49 =	vmul.f32 $1.442695020e+00, v49  }
0x1c7: {  	v43 =	vmin.f32 v43, v33;
	v47 =	vmax.f32 v47, $0.0e+00;
	v58 =	vld [tilespmem:s16+$0xFFFFFFE0];
	(erf) = vpow2.f32 v61  }
0x1c8: {  	v56 =	vsub.f32 v59, v56;
	v60 =	vmax.f32 v60, v31;
	(erf) = vpow2.f32 v48  }
0x1c9: {  	v45 =	vsub.f32 v51, v45;
	v48 =	vmin.f32 v53, v34;
	v43 =	vsub.f32 v43, v60  }
0x1ca: {  	v51 =	vmax.f32 v56, $0.0e+00;
	v56 =	vadd.f32 v62, v35;
	(erf) = vpow2.f32 v49  }
0x1cb: {  	v49 =	vmax.f32 v43, $0.0e+00;
	v53 =	vmax.f32 v63, v32;
	v59 =	vld [tilespmem:s20+$0xFFFFFFF0];
	v55 =	vmin.f32 v55, v34;
	v60 =	vpop (erf)  }
0x1cc: {  	v48 =	vsub.f32 v48, v46;
	v43 =	vmul.f32 v51, v47;
	v46 =	vmul.f32 v50, v58  }
.Ltmp4:
0x1cd: {  	v58 =	vsub.f32 v55, v53;
	v53 =	vsub.f32 v54, v41;
	v51 =	vmul.f32 v60, v52;
	v54 =	vld [tilespmem:s16+$0xFFFFFFF0];
	(pc) =	sbr.rel @p1 .LBB2_7-.Ltmp4, $4  }
0x1ce: {  	v48 =	vmax.f32 v48, $0.0e+00;
	v55 =	vsub.f32 v56, v43;
	v60 =	vmul.f32 v42, v42;
	[tilespmem:s16+$0xFFFFFFE0] =	vst v46  }
0x1cf: {  	v42 =	vmul.f32 v48, v49;
	v52 =	vmax.f32 v58, $0.0e+00;
	vm2 =	vgt.f32 v46, v36;
	v50 =	vld [tilespmem:s16+$0x0]  }
0x1d0: {  	s23 =	sadd.s32 $0x40, s23;
	v55 =	vadd.f32 $9.999999710e-10, v55;
	v48 =	vmul.f32 v51, v51;
	v49 =	vadd.f32 v59, v35;
	v51 =	vld [tilespmem:s16+$0x10];
	v47 =	vpop (erf)  }
0x1d1: {  	s29 =	sadd.s32 $0x40, s29;
	s26 =	sadd.s32 $0x40, s26;
	s28 =	sadd.s32 $0x40, s28;
	v57 =	vsub.f32 v57, v42;
	v58 =	vmul.f32 $-2.000000000e+00, v60;
	v56 =	vpop (erf)  }
0x1d2: {  	(erf) = vrcp.f32 v40;
	_ =	sdelay $0x6  }
0x1d3: {  	v33 =	vmul.f32 v44, v38;
	v34 =	vmax.f32 v45, $0.0e+00;
	v31 =	vadd.f32 $9.999999710e-10, v57  }
0x1d4: {  	v32 =	vpop (erf);
	v34 =	vmul.f32 v52, v34  }
0x1d5: {  	v33 =	vmul.f32 v33, v33;
	(erf) = vrcp.f32 v31;
	v31 =	vadd.f32 $9.999999710e-10, v53;
	v35 =	vpop (erf)  }
0x1d6: {  	v35 =	vmul.f32 v35, v39  }
0x1d7: {  	v33 =	vmul.f32 $-2.000000000e+00, v33;
	(erf) = vrcp.f32 v31;
	v31 =	vsub.f32 v49, v34  }
0x1d8: {  	v53 =	vmul.f32 $1.442695020e+00, v58;
	v35 =	vmul.f32 v35, v35  }
0x1d9: {  	v57 =	vmul.f32 $-2.000000000e+00, v48;
	v33 =	vmul.f32 $1.442695020e+00, v33;
	v31 =	vadd.f32 $9.999999710e-10, v31  }
0x1da: {  	(erf) = vpow2.f32 v53;
	v35 =	vmul.f32 $-2.000000000e+00, v35  }
0x1db: {  	v38 =	vmul.f32 $1.442695020e+00, v57;
	(erf) = vrcp.f32 v31  }
0x1dc: {  	(erf) = vpow2.f32 v33;
	v31 =	vmul.f32 $1.442695020e+00, v35  }
0x1dd: {  	(erf) = vpow2.f32 v38  }
0x1de: {  	(erf) = vpow2.f32 v31  }
0x1df: {  	(erf) = vrcp.f32 v55;
	_ =	sdelay $0x1  }
0x1e0: {  	v31 =	vpop (erf)  }
0x1e1: {  	v58 =	vpop (erf)  }
0x1e2: {  	v59 =	vpop (erf)  }
0x1e3: {  	v60 =	vpop (erf)  }
0x1e4: {  	v61 =	vpop (erf)  }
0x1e5: {  	v32 =	vmul.f32 v32, v50;
	v31 =	vmul.f32 v31, v42;
	v62 =	vpop (erf)  }
0x1e6: {  	v42 =	vmul.f32 v56, v54;
	v33 =	vmul.f32 v58, v41;
	v63 =	vpop (erf)  }
0x1e7: {  	v31 =	vmul.f32 v31, v31;
	v34 =	vmul.f32 v60, v34;
	v41 =	vpop (erf)  }
0x1e8: {  	v33 =	vmul.f32 v33, v33;
	v38 =	vmul.f32 v41, v43  }
0x1e9: {  	v31 =	vmul.f32 $-2.000000000e+00, v31;
	v34 =	vmul.f32 v34, v34  }
0x1ea: {  	v33 =	vmul.f32 $-2.000000000e+00, v33;
	v38 =	vmul.f32 v38, v38  }
0x1eb: {  	v45 =	vld [tilespmem:s18+$0xFFFFFFE0];
	v31 =	vmul.f32 $1.442695020e+00, v31;
	v34 =	vmul.f32 $-2.000000000e+00, v34  }
0x1ec: {  	v49 =	vld [tilespmem:s18+$0xFFFFFFF0];
	v33 =	vmul.f32 $1.442695020e+00, v33;
	v38 =	vmul.f32 $-2.000000000e+00, v38  }
0x1ed: {  	v53 =	vld [tilespmem:s18+$0x0];
	(erf) = vpow2.f32 v31;
	v31 =	vmul.f32 $1.442695020e+00, v34  }
0x1ee: {  	v48 =	vsel vm2, s15, v37;
	(erf) = vpow2.f32 v33;
	v38 =	vmul.f32 $1.442695020e+00, v38  }
0x1ef: {  	v52 =	vmax.f32 v46, v36;
	v54 =	vmul.f32 v47, v51;
	(erf) = vpow2.f32 v31  }
0x1f0: {  	s22 =	sadd.s32 $0x10, s15;
	vm2 =	vgt.f32 v42, v52;
	v35 =	vmul.f32 v59, v45;
	(erf) = vpow2.f32 v38  }
0x1f1: {  	s20 =	sadd.s32 $0x40, s21;
	v55 =	vld [tilespmem:s18+$0x10];
	v37 =	vmul.f32 v62, v49;
	v34 =	vsel vm2, s22, v48;
	v31 =	vmax.f32 v42, v52  }
0x1f2: {  	s31 =	sadd.s32 $0x20, s15;
	v57 =	vld [tilespmem:s20+$0xFFFFFFF0];
	v33 =	vmul.f32 v63, v53;
	vm2 =	vgt.f32 v32, v31;
	v31 =	vmax.f32 v32, v31  }
0x1f3: {  	v56 =	vld [tilespmem:s20+$0xFFFFFFE0];
	s22 =	sadd.s32 $0x30, s15;
	v34 =	vsel vm2, s31, v34;
	vm2 =	vgt.f32 v54, v31;
	v31 =	vmax.f32 v54, v31  }
0x1f4: {  	v60 =	vld [tilespmem:s20+$0x10];
	v34 =	vsel vm2, s22, v34;
	vm2 =	vgt.f32 v35, v31;
	v31 =	vmax.f32 v35, v31  }
0x1f5: {  	s23 =	sadd.s32 $0x10, s19;
	v58 =	vld [tilespmem:s20+$0x0];
	v34 =	vsel vm2, s19, v34;
	vm2 =	vgt.f32 v37, v31;
	v31 =	vmax.f32 v37, v31  }
0x1f6: {  	s26 =	sadd.s32 $0x20, s19;
	v34 =	vsel vm2, s23, v34;
	v38 =	vmul.f32 v61, v55;
	vm2 =	vgt.f32 v33, v31;
	v59 =	vpop (erf)  }
0x1f7: {  	v31 =	vmax.f32 v33, v31;
	v34 =	vsel vm2, s26, v34;
	v61 =	vpop (erf)  }
0x1f8: {  	s28 =	sadd.s32 $0x30, s19;
	v39 =	vmul.f32 v59, v56;
	vm2 =	vgt.f32 v38, v31;
	v31 =	vmax.f32 v38, v31;
	v62 =	vpop (erf)  }
0x1f9: {  	v34 =	vsel vm2, s28, v34;
	v41 =	vmul.f32 v61, v60;
	v40 =	vmul.f32 v62, v57;
	v63 =	vpop (erf)  }
0x1fa: {  	vm2 =	vgt.f32 v39, v31;
	v31 =	vmax.f32 v39, v31;
	v43 =	vmul.f32 v63, v58  }
0x1fb: {  	s29 =	sadd.s32 $0x10, s17;
	v34 =	vsel vm2, s17, v34;
	vm2 =	vgt.f32 v40, v31;
	v31 =	vmax.f32 v40, v31  }
0x1fc: {  	s30 =	sadd.s32 $0x20, s17;
	v34 =	vsel vm2, s29, v34;
	vm2 =	vgt.f32 v43, v31;
	v31 =	vmax.f32 v43, v31  }
0x1fd: {  	s31 =	sadd.s32 $0x30, s17;
	v34 =	vsel vm2, s30, v34;
	vm2 =	vgt.f32 v41, v31  }
0x1fe: {  	v34 =	vsel vm2, s31, v34  }
0x1ff: {  	v31 =	vmax.f32 v41, v31;
	v34 =	vadd.s32 v34, v3  }
0x200: {  	(xrf1) =	vsort.dscd.msk.f32 $0xffff, v31, v34;
	_ =	sdelay $0x3  }
0x201: {  	[tilespmem:s16+$0x0] =	vst v32  }
0x202: {  	[tilespmem:s16+$0xFFFFFFF0] =	vst v42  }
0x203: {  	[tilespmem:s16+$0x10] =	vst v54  }
0x204: {  	[tilespmem:s18+$0xFFFFFFE0] =	vst v35  }
0x205: {  	[tilespmem:s18+$0xFFFFFFF0] =	vst v37  }
0x206: {  	p1 =	sne.s32 s14, $0x12C;
	[tilespmem:s18+$0x0] =	vst v33  }
.Ltmp5:
0x207: {  	[tilespmem:s18+$0x10] =	vst v38;
	(pc) =	sbr.rel @p1 .LBB2_4-.Ltmp5, $4  }
0x208: {  	[tilespmem:s20+$0xFFFFFFE0] =	vst v39  }
0x209: {  	[tilespmem:s20+$0x10] =	vst v41  }
0x20a: {  	[tilespmem:s20+$0xFFFFFFF0] =	vst v40  }
0x20b: {  	s15 =	smov.u32 s14;
	[tilespmem:s20+$0x0] =	vst v43;
	v32, v31, _ =	vpop (xrf1)  }
.Ltmp6:
0x20c: {  	(pc) =	sbr.rel @p0 .LBB2_11-.Ltmp6, $1  }
0x20d: {  	_ =	sdelay $0x3  }
0x20e: {  	v31 =	vld [tilespmem:$0x6690]  }
0x20f: {  	v32 =	vld [tilespmem:$0x66A0]  }
0x210: {  	v33 =	vld [tilespmem:$0x66B0]  }
0x211: {  	v34 =	vld [tilespmem:$0x66C0]  }
0x212: {  	v35 =	vld [tilespmem:$0x66D0]  }
0x213: {  	v36 =	vld [tilespmem:$0x66E0];
	vm2 =	vlt.f32 v31, $1.000000050e-03  }
0x214: {  	v37 =	vld [tilespmem:$0x66F0];
	v31 =	vsel vm2, $0x0, v31;
	vm2 =	vlt.f32 v32, $1.000000050e-03  }
0x215: {  	v52 =	vld [tilespmem:$0x6700];
	[tilespmem:$0x6690] =	vst v31;
	v31 =	vsel vm2, $0x0, v32;
	vm2 =	vlt.f32 v33, $1.000000050e-03  }
0x216: {  	v53 =	vld [tilespmem:$0x6710];
	[tilespmem:$0x66A0] =	vst v31;
	v31 =	vsel vm2, $0x0, v33;
	vm2 =	vlt.f32 v34, $1.000000050e-03  }
0x217: {  	v54 =	vld [tilespmem:$0x6720];
	[tilespmem:$0x66B0] =	vst v31;
	v31 =	vsel vm2, $0x0, v34;
	vm2 =	vlt.f32 v35, $1.000000050e-03  }
0x218: {  	v55 =	vld [tilespmem:$0x6730];
	[tilespmem:$0x66C0] =	vst v31;
	v31 =	vsel vm2, $0x0, v35;
	vm2 =	vlt.f32 v36, $1.000000050e-03  }
0x219: {  	v56 =	vld [tilespmem:$0x6740];
	[tilespmem:$0x66D0] =	vst v31;
	v31 =	vsel vm2, $0x0, v36;
	vm2 =	vlt.f32 v37, $1.000000050e-03  }
0x21a: {  	v57 =	vld [tilespmem:$0x6750];
	[tilespmem:$0x66E0] =	vst v31;
	v31 =	vsel vm2, $0x0, v37;
	vm2 =	vlt.f32 v52, $1.000000050e-03  }
0x21b: {  	v58 =	vld [tilespmem:$0x6760];
	[tilespmem:$0x66F0] =	vst v31;
	v31 =	vsel vm2, $0x0, v52;
	vm2 =	vlt.f32 v53, $1.000000050e-03  }
0x21c: {  	v59 =	vld [tilespmem:$0x6770];
	[tilespmem:$0x6700] =	vst v31;
	v31 =	vsel vm2, $0x0, v53;
	vm2 =	vlt.f32 v54, $1.000000050e-03  }
0x21d: {  	v60 =	vld [tilespmem:$0x6780];
	[tilespmem:$0x6710] =	vst v31;
	v31 =	vsel vm2, $0x0, v54;
	vm2 =	vlt.f32 v55, $1.000000050e-03  }
0x21e: {  	v61 =	vld [tilespmem:$0x6790];
	[tilespmem:$0x6720] =	vst v31;
	v31 =	vsel vm2, $0x0, v55;
	vm2 =	vlt.f32 v56, $1.000000050e-03  }
0x21f: {  	v62 =	vld [tilespmem:$0x67A0];
	[tilespmem:$0x6730] =	vst v31;
	v31 =	vsel vm2, $0x0, v56;
	vm2 =	vlt.f32 v57, $1.000000050e-03  }
0x220: {  	v63 =	vld [tilespmem:$0x67B0];
	[tilespmem:$0x6740] =	vst v31;
	v31 =	vsel vm2, $0x0, v57;
	vm2 =	vlt.f32 v58, $1.000000050e-03  }
0x221: {  	[tilespmem:$0x6750] =	vst v31;
	v31 =	vsel vm2, $0x0, v58;
	vm2 =	vlt.f32 v59, $1.000000050e-03  }
0x222: {  	[tilespmem:$0x6760] =	vst v31;
	v31 =	vsel vm2, $0x0, v59;
	vm2 =	vlt.f32 v60, $1.000000050e-03  }
0x223: {  	[tilespmem:$0x6770] =	vst v31;
	v31 =	vsel vm2, $0x0, v60;
	vm2 =	vlt.f32 v61, $1.000000050e-03  }
0x224: {  	[tilespmem:$0x6780] =	vst v31;
	v31 =	vsel vm2, $0x0, v61;
	vm2 =	vlt.f32 v62, $1.000000050e-03  }
0x225: {  	[tilespmem:$0x6790] =	vst v31;
	v31 =	vsel vm2, $0x0, v62;
	vm2 =	vlt.f32 v63, $1.000000050e-03  }
0x226: {  	s14 =	rddreg [dreg:$0x1];
	[tilespmem:$0x67A0] =	vst v31;
	v31 =	vsel vm2, $0x0, v63  }
.Ltmp7:
0x227: {  	s15 =	simm.s32 $0x0;
	s16 =	simm.s32 $0x6690;
	[tilespmem:$0x67B0] =	vst v31;
	(pc) =	sbr.rel .LBB2_11-.Ltmp7, $4  }
0x228: {  	[hbm4b:s14+s15] =	stream.linear.scatter [tilespmem:s16], [sflag:$0x1], $0x12C, $0x38;
	[tilespmem:$0x6F90] =	vst v63  }
0x229: {  	_ =	swait.ge [sflag:s3], $0x12C  }
0x22a: {  	[sflag:s3] =	ssyncset.done $0x0  }
0x22b: {  	[sflag:s3] =	ssyncadd.s32 $0xFFFFFED4  }
.LBB2_12:
0x22c: {  	_ =	sfence.sel $0x180000  }
0x22d: {  	[bflag:$0x0] =	sbarrier.arrive $0xFFFF  }
0x22e: {  	_ =	strace $0x90000047  }
0x22f: {  	s0 =	stileid.u32;
	[bflag:$0x2] =	sbarrier.arrive $0xFFFF  }
0x230: {  	p0 =	sne.s32 s0, $0x0;
	s0 =	rddreg [dreg:$0x3]  }
0x231: {  	s0 =	sadd.s32 @!p0 $0x100000, s0  }
0x232: {  	[sflag:s0] =	ssyncadd.tile.s32 @!p0 $0x1;
	_ =	shalt  }
.Lfunc_end2:
_tile_overlayer_lowered:
.L_overlay_start_2:
0x233: {  	(tag) =	ssettag $0x2  }
0x234: {  	s0 =	rddreg [dreg:$0x0];
	s2 =	stileid.u32  }
0x235: {  	s1 =	rddreg [dreg:$0x1];
	p0 =	sne.s32 s2, $0x0  }
0x236: {  	s3 =	rddreg [dreg:$0x2];
	[bflag:$0x3] =	sbarrier.arrive $0xFFFF;
	s2 =	simm.s32 @!p0 $0x1C01  }
0x237: {  	[timem:s3], [sflag:s2] =	dma.local @!p0 [hbm:s0], s1  }
0x238: {  	s0 =	simm.s32 @!p0 $0x1  }
0x239: {  	_ =	swait.ge @!p0 [sflag:s0], s1  }
0x23a: {  	s1 =	ssub.s32 @!p0 $0x0, s1;
	[sflag:s0] =	ssyncset.done @!p0 $0x0  }
0x23b: {  	[sflag:s0] =	ssyncadd.s32 @!p0 s1  }
0x23c: {  	[bflag:$0x3] =	sbarrier.arrive $0xFFFF  }
0x23d: {  	_ =	shalt  }

</sc_bundles>
